<compile_context>
chip_gen: v7x
topology: tpu7x:2x2x1
jax: 0.10.2.dev20260603
libtpu: 0.0.44.dev20260713+nightly
codegen_flags: <defaults>
</compile_context>

<pallas_src>
import functools

import jax
import jax.numpy as jnp
from jax import lax
from jax.experimental import pallas as pl
from jax.experimental.pallas import tpu as pltpu
from jax.experimental.pallas import tpu_sc as plsc

N_TOK = 65536
K = 32
KP = 128
V = 8192
M = 512
NB = N_TOK // M


def _tc_body(z_ref, wt_ref, idx_ref):
    wt = wt_ref[...]
    w2 = jnp.sum(wt * wt, axis=0, keepdims=True)
    s = jnp.dot(z_ref[...], wt, preferred_element_type=jnp.float32)
    d = w2 - (s + s)
    m = jnp.min(d, axis=1, keepdims=True)
    iota_row = lax.broadcasted_iota(jnp.int32, (M, V), 1)
    cand = jnp.where(d == m, iota_row, jnp.int32(2 ** 30))
    idx_ref[...] = jnp.min(cand, axis=1).reshape(M, 1)


def _tc_argmin(z_flat, wt):
    return pl.pallas_call(
        _tc_body,
        grid=(NB,),
        in_specs=[
            pl.BlockSpec((M, K), lambda i: (i, 0)),
            pl.BlockSpec((K, V), lambda i: (0, 0)),
        ],
        out_specs=pl.BlockSpec((M, 1), lambda i: (i, 0)),
        out_shape=jax.ShapeDtypeStruct((N_TOK, 1), jnp.int32),
    )(z_flat, wt)


@functools.cache
def _make_sc_gather():
    info = plsc.get_sparse_core_info()
    nc, ns = info.num_cores, info.num_subcores
    nw = nc * ns
    b_per_w = N_TOK // nw
    chunk = 128
    n_chunks = b_per_w // chunk
    mesh = plsc.VectorSubcoreMesh(core_axis_name="c", subcore_axis_name="s")

    @functools.partial(
        pl.kernel,
        mesh=mesh,
        out_type=jax.ShapeDtypeStruct((N_TOK, KP), jnp.float32),
        scratch_types=[
            pltpu.VMEM((n_chunks, chunk), jnp.int32),
            pltpu.VMEM((chunk, KP), jnp.float32),
            pltpu.SemaphoreType.DMA,
        ],
    )
    def gather(table_hbm, idx_hbm, out_hbm, idx_v, rows_v, sem):
        wid = lax.axis_index("s") * nc + lax.axis_index("c")
        base = wid * b_per_w
        pltpu.sync_copy(idx_hbm.at[wid], idx_v)
        for j in range(n_chunks):
            pltpu.async_copy(table_hbm.at[idx_v.at[j]], rows_v, sem).wait()
            pltpu.sync_copy(rows_v, out_hbm.at[pl.ds(base + j * chunk, chunk)])

    return gather, nw, b_per_w, chunk


def kernel(z, weight):
    z_flat = z.reshape(-1, K)
    wt = weight.T
    idx2 = _tc_argmin(z_flat, wt)
    indices = idx2.reshape(N_TOK)
    sc_gather, nw, b_per_w, chunk = _make_sc_gather()
    table = jnp.pad(weight, ((0, 0), (0, KP - K)))
    idx3 = indices.reshape(nw, b_per_w // chunk, chunk)
    quantized = sc_gather(table, idx3)[:, :K]
    return (quantized, indices)

# --- scband reference (transcript-rebuilt; emitter-appended) ---
"""Pipeline reference for scband-vector-quantizer-1743756722217 (READ-ONLY COPY).

The authoritative reference and input builder live on the scoring server;
editing this copy changes nothing except your own understanding.
"""

import jax, jax.numpy as jnp
import numpy as np


def setup_inputs(seed: int = 0) -> dict:
    key = jax.random.key(seed)
    k1, k2 = jax.random.split(key)
    z = jax.random.normal(k1, (16, 4096, 32), dtype=jnp.float32)
    # learned codebook parameter: nn.Embedding(n_embeddings=8192, embedding_dim=32).weight
    weight = jax.random.normal(k2, (8192, 32), dtype=jnp.float32) * 0.02
    return {"z": z, "weight": weight}


def reference(z, weight):
    embedding_dim = weight.shape[1]
    z_flattened = z.reshape(-1, embedding_dim)
    d = (
        jnp.sum(z_flattened ** 2, axis=1, keepdims=True)
        + jnp.sum(weight ** 2, axis=1)
        - 2.0 * jnp.matmul(z_flattened, weight.T)
    )
    encoding_indices = jnp.argmin(d, axis=1)
    quantized = jnp.take(weight, encoding_indices, axis=0)
    return (quantized, encoding_indices)

if __name__ == "__main__":
    import jax
    _d = setup_inputs()
    print(jax.jit(kernel)(*tuple(_d.values())))

</pallas_src>

<mosaic_0001>
#map = affine_map<(d0, d1) -> (0, 0)>
#map1 = affine_map<(d0, d1) -> (0, 0, 0)>
module attributes {stable_mosaic.version = 14 : i64} {
  func.func @gather(%arg0: i32, %arg1: i32, %arg2: memref<8192x128xf32, #tpu.memory_space<hbm>>, %arg3: memref<32x16x128xi32, #tpu.memory_space<hbm>>, %arg4: memref<65536x128xf32, #tpu.memory_space<hbm>>, %arg5: memref<16x128xi32, #tpu.memory_space<vmem>>, %arg6: memref<128x128xf32, #tpu.memory_space<vmem>>, %arg7: memref<!tpu.dma_semaphore, #tpu.memory_space<semaphore_mem>>) attributes {dimension_semantics = [#tpu.dimension_semantics<core_parallel>, #tpu.dimension_semantics<subcore_parallel>], iteration_bounds = array<i64: 2, 16>, scalar_prefetch = 0 : i64, scratch_operands = 3 : i64, tpu.core_type = #tpu.core_type<sc_vector_subcore>, window_params = [{transform_indices = #map}, {transform_indices = #map1}, {transform_indices = #map}]} {
    %mul3A = arith.constant 2 : i32
    %mul3A_0 = arith.muli %arg1, %mul3A : i32
    %add3A = arith.addi %mul3A_0, %arg0 : i32
    %mul3A_1 = arith.constant 2048 : i32
    %mul3A_2 = arith.muli %add3A, %mul3A_1 : i32
    "tpu.region"() ({
      %run_scoped3A = tpu.sem_alloc : memref<!tpu.dma_semaphore, #tpu.memory_space<semaphore_mem>>
      %dma_start3A_257 = arith.constant 0 : i32
      %dma_start3A_258 = arith.constant 0 : i32
      %dma_start3A_259 = tpu.memref_slice %arg3[%add3A, %dma_start3A_257, %dma_start3A_258] : memref<32x16x128xi32, #tpu.memory_space<hbm>> -> memref<1x16x128xi32, #tpu.memory_space<hbm>>
      %dma_start3A_260 = tpu.memref_squeeze %dma_start3A_259 : memref<1x16x128xi32, #tpu.memory_space<hbm>> -> memref<16x128xi32, #tpu.memory_space<hbm>>
      %dma_start3A_261 = arith.constant 0 : i32
      %dma_start3A_262 = arith.constant 0 : i32
      %dma_start3A_263 = tpu.memref_slice %arg3[%add3A, %dma_start3A_261, %dma_start3A_262] : memref<32x16x128xi32, #tpu.memory_space<hbm>> -> memref<1x16x128xi32, #tpu.memory_space<hbm>>
      %dma_start3A_264 = tpu.memref_squeeze %dma_start3A_263 : memref<1x16x128xi32, #tpu.memory_space<hbm>> -> memref<16x128xi32, #tpu.memory_space<hbm>>
      tpu.enqueue_dma source(%dma_start3A_264 : memref<16x128xi32, #tpu.memory_space<hbm>>) target(%arg5 : memref<16x128xi32, #tpu.memory_space<vmem>>) target_semaphore(%run_scoped3A : memref<!tpu.dma_semaphore, #tpu.memory_space<semaphore_mem>>)
      %dma_wait3A_265 = arith.constant 0 : i32
      %dma_wait3A_266 = arith.constant 0 : i32
      %dma_wait3A_267 = tpu.memref_slice %arg3[%add3A, %dma_wait3A_265, %dma_wait3A_266] : memref<32x16x128xi32, #tpu.memory_space<hbm>> -> memref<1x16x128xi32, #tpu.memory_space<hbm>>
      %dma_wait3A_268 = tpu.memref_squeeze %dma_wait3A_267 : memref<1x16x128xi32, #tpu.memory_space<hbm>> -> memref<16x128xi32, #tpu.memory_space<hbm>>
      %dma_wait3A_269 = arith.constant 0 : i32
      %dma_wait3A_270 = arith.constant 0 : i32
      %dma_wait3A_271 = tpu.memref_slice %arg3[%add3A, %dma_wait3A_269, %dma_wait3A_270] : memref<32x16x128xi32, #tpu.memory_space<hbm>> -> memref<1x16x128xi32, #tpu.memory_space<hbm>>
      %dma_wait3A_272 = tpu.memref_squeeze %dma_wait3A_271 : memref<1x16x128xi32, #tpu.memory_space<hbm>> -> memref<16x128xi32, #tpu.memory_space<hbm>>
      tpu.wait_dma2 semaphore(%run_scoped3A : memref<!tpu.dma_semaphore, #tpu.memory_space<semaphore_mem>>) src(%dma_wait3A_272 : memref<16x128xi32, #tpu.memory_space<hbm>>) dst(%arg5 : memref<16x128xi32, #tpu.memory_space<vmem>>)
      tpu.yield
    }) : () -> ()
    %dma_start3A = arith.constant 0 : i32
    %dma_start3A_3 = arith.constant 0 : i32
    %dma_start3A_4 = tpu.memref_slice %arg5[%dma_start3A, %dma_start3A_3] : memref<16x128xi32, #tpu.memory_space<vmem>> -> memref<1x128xi32, #tpu.memory_space<vmem>>
    %dma_start3A_5 = tpu.memref_squeeze %dma_start3A_4 : memref<1x128xi32, #tpu.memory_space<vmem>> -> memref<128xi32, #tpu.memory_space<vmem>>
    %dma_start3A_6 = arith.constant 0 : i32
    %dma_start3A_7 = arith.constant 0 : i32
    %dma_start3A_8 = tpu.memref_slice %arg2[%dma_start3A_6, %dma_start3A_7] : memref<8192x128xf32, #tpu.memory_space<hbm>> -> memref<8192x128xf32, #tpu.memory_space<hbm>>
    tpu.enqueue_indirect_dma source(%dma_start3A_8 : memref<8192x128xf32, #tpu.memory_space<hbm>>) target(%arg6 : memref<128x128xf32, #tpu.memory_space<vmem>>) offsets(%dma_start3A_5 : memref<128xi32, #tpu.memory_space<vmem>>) semaphore(%arg7 : memref<!tpu.dma_semaphore, #tpu.memory_space<semaphore_mem>>)
    %dma_wait3A = arith.constant 0 : i32
    %dma_wait3A_9 = arith.constant 0 : i32
    %dma_wait3A_10 = tpu.memref_slice %arg5[%dma_wait3A, %dma_wait3A_9] : memref<16x128xi32, #tpu.memory_space<vmem>> -> memref<1x128xi32, #tpu.memory_space<vmem>>
    %dma_wait3A_11 = tpu.memref_squeeze %dma_wait3A_10 : memref<1x128xi32, #tpu.memory_space<vmem>> -> memref<128xi32, #tpu.memory_space<vmem>>
    %dma_wait3A_12 = arith.constant 0 : i32
    %dma_wait3A_13 = arith.constant 0 : i32
    %dma_wait3A_14 = tpu.memref_slice %arg2[%dma_wait3A_12, %dma_wait3A_13] : memref<8192x128xf32, #tpu.memory_space<hbm>> -> memref<8192x128xf32, #tpu.memory_space<hbm>>
    tpu.wait_indirect_dma semaphore(%arg7 : memref<!tpu.dma_semaphore, #tpu.memory_space<semaphore_mem>>) src(%dma_wait3A_14 : memref<8192x128xf32, #tpu.memory_space<hbm>>) dst(%arg6 : memref<128x128xf32, #tpu.memory_space<vmem>>)
    %add3A_15 = arith.constant 0 : i32
    %add3A_16 = arith.addi %mul3A_2, %add3A_15 : i32
    "tpu.region"() ({
      %run_scoped3A = tpu.sem_alloc : memref<!tpu.dma_semaphore, #tpu.memory_space<semaphore_mem>>
      %dma_start3A_257 = arith.constant 0 : i32
      %dma_start3A_258 = tpu.memref_slice %arg4[%add3A_16, %dma_start3A_257] : memref<65536x128xf32, #tpu.memory_space<hbm>> -> memref<128x128xf32, #tpu.memory_space<hbm>>
      %dma_start3A_259 = arith.constant 0 : i32
      %dma_start3A_260 = tpu.memref_slice %arg4[%add3A_16, %dma_start3A_259] : memref<65536x128xf32, #tpu.memory_space<hbm>> -> memref<128x128xf32, #tpu.memory_space<hbm>>
      tpu.enqueue_dma source(%arg6 : memref<128x128xf32, #tpu.memory_space<vmem>>) target(%dma_start3A_260 : memref<128x128xf32, #tpu.memory_space<hbm>>) target_semaphore(%run_scoped3A : memref<!tpu.dma_semaphore, #tpu.memory_space<semaphore_mem>>)
      %dma_wait3A_261 = arith.constant 0 : i32
      %dma_wait3A_262 = tpu.memref_slice %arg4[%add3A_16, %dma_wait3A_261] : memref<65536x128xf32, #tpu.memory_space<hbm>> -> memref<128x128xf32, #tpu.memory_space<hbm>>
      %dma_wait3A_263 = arith.constant 0 : i32
      %dma_wait3A_264 = tpu.memref_slice %arg4[%add3A_16, %dma_wait3A_263] : memref<65536x128xf32, #tpu.memory_space<hbm>> -> memref<128x128xf32, #tpu.memory_space<hbm>>
      tpu.wait_dma2 semaphore(%run_scoped3A : memref<!tpu.dma_semaphore, #tpu.memory_space<semaphore_mem>>) src(%arg6 : memref<128x128xf32, #tpu.memory_space<vmem>>) dst(%dma_wait3A_264 : memref<128x128xf32, #tpu.memory_space<hbm>>)
      tpu.yield
    }) : () -> ()
    %dma_start3A_17 = arith.constant 1 : i32
    %dma_start3A_18 = arith.constant 0 : i32
    %dma_start3A_19 = tpu.memref_slice %arg5[%dma_start3A_17, %dma_start3A_18] : memref<16x128xi32, #tpu.memory_space<vmem>> -> memref<1x128xi32, #tpu.memory_space<vmem>>
    %dma_start3A_20 = tpu.memref_squeeze %dma_start3A_19 : memref<1x128xi32, #tpu.memory_space<vmem>> -> memref<128xi32, #tpu.memory_space<vmem>>
    %dma_start3A_21 = arith.constant 0 : i32
    %dma_start3A_22 = arith.constant 0 : i32
    %dma_start3A_23 = tpu.memref_slice %arg2[%dma_start3A_21, %dma_start3A_22] : memref<8192x128xf32, #tpu.memory_space<hbm>> -> memref<8192x128xf32, #tpu.memory_space<hbm>>
    tpu.enqueue_indirect_dma source(%dma_start3A_23 : memref<8192x128xf32, #tpu.memory_space<hbm>>) target(%arg6 : memref<128x128xf32, #tpu.memory_space<vmem>>) offsets(%dma_start3A_20 : memref<128xi32, #tpu.memory_space<vmem>>) semaphore(%arg7 : memref<!tpu.dma_semaphore, #tpu.memory_space<semaphore_mem>>)
    %dma_wait3A_24 = arith.constant 1 : i32
    %dma_wait3A_25 = arith.constant 0 : i32
    %dma_wait3A_26 = tpu.memref_slice %arg5[%dma_wait3A_24, %dma_wait3A_25] : memref<16x128xi32, #tpu.memory_space<vmem>> -> memref<1x128xi32, #tpu.memory_space<vmem>>
    %dma_wait3A_27 = tpu.memref_squeeze %dma_wait3A_26 : memref<1x128xi32, #tpu.memory_space<vmem>> -> memref<128xi32, #tpu.memory_space<vmem>>
    %dma_wait3A_28 = arith.constant 0 : i32
    %dma_wait3A_29 = arith.constant 0 : i32
    %dma_wait3A_30 = tpu.memref_slice %arg2[%dma_wait3A_28, %dma_wait3A_29] : memref<8192x128xf32, #tpu.memory_space<hbm>> -> memref<8192x128xf32, #tpu.memory_space<hbm>>
    tpu.wait_indirect_dma semaphore(%arg7 : memref<!tpu.dma_semaphore, #tpu.memory_space<semaphore_mem>>) src(%dma_wait3A_30 : memref<8192x128xf32, #tpu.memory_space<hbm>>) dst(%arg6 : memref<128x128xf32, #tpu.memory_space<vmem>>)
    %add3A_31 = arith.constant 128 : i32
    %add3A_32 = arith.addi %mul3A_2, %add3A_31 : i32
    "tpu.region"() ({
      %run_scoped3A = tpu.sem_alloc : memref<!tpu.dma_semaphore, #tpu.memory_space<semaphore_mem>>
      %dma_start3A_257 = arith.constant 0 : i32
      %dma_start3A_258 = tpu.memref_slice %arg4[%add3A_32, %dma_start3A_257] : memref<65536x128xf32, #tpu.memory_space<hbm>> -> memref<128x128xf32, #tpu.memory_space<hbm>>
      %dma_start3A_259 = arith.constant 0 : i32
      %dma_start3A_260 = tpu.memref_slice %arg4[%add3A_32, %dma_start3A_259] : memref<65536x128xf32, #tpu.memory_space<hbm>> -> memref<128x128xf32, #tpu.memory_space<hbm>>
      tpu.enqueue_dma source(%arg6 : memref<128x128xf32, #tpu.memory_space<vmem>>) target(%dma_start3A_260 : memref<128x128xf32, #tpu.memory_space<hbm>>) target_semaphore(%run_scoped3A : memref<!tpu.dma_semaphore, #tpu.memory_space<semaphore_mem>>)
      %dma_wait3A_261 = arith.constant 0 : i32
      %dma_wait3A_262 = tpu.memref_slice %arg4[%add3A_32, %dma_wait3A_261] : memref<65536x128xf32, #tpu.memory_space<hbm>> -> memref<128x128xf32, #tpu.memory_space<hbm>>
      %dma_wait3A_263 = arith.constant 0 : i32
      %dma_wait3A_264 = tpu.memref_slice %arg4[%add3A_32, %dma_wait3A_263] : memref<65536x128xf32, #tpu.memory_space<hbm>> -> memref<128x128xf32, #tpu.memory_space<hbm>>
      tpu.wait_dma2 semaphore(%run_scoped3A : memref<!tpu.dma_semaphore, #tpu.memory_space<semaphore_mem>>) src(%arg6 : memref<128x128xf32, #tpu.memory_space<vmem>>) dst(%dma_wait3A_264 : memref<128x128xf32, #tpu.memory_space<hbm>>)
      tpu.yield
    }) : () -> ()
    %dma_start3A_33 = arith.constant 2 : i32
    %dma_start3A_34 = arith.constant 0 : i32
    %dma_start3A_35 = tpu.memref_slice %arg5[%dma_start3A_33, %dma_start3A_34] : memref<16x128xi32, #tpu.memory_space<vmem>> -> memref<1x128xi32, #tpu.memory_space<vmem>>
    %dma_start3A_36 = tpu.memref_squeeze %dma_start3A_35 : memref<1x128xi32, #tpu.memory_space<vmem>> -> memref<128xi32, #tpu.memory_space<vmem>>
    %dma_start3A_37 = arith.constant 0 : i32
    %dma_start3A_38 = arith.constant 0 : i32
    %dma_start3A_39 = tpu.memref_slice %arg2[%dma_start3A_37, %dma_start3A_38] : memref<8192x128xf32, #tpu.memory_space<hbm>> -> memref<8192x128xf32, #tpu.memory_space<hbm>>
    tpu.enqueue_indirect_dma source(%dma_start3A_39 : memref<8192x128xf32, #tpu.memory_space<hbm>>) target(%arg6 : memref<128x128xf32, #tpu.memory_space<vmem>>) offsets(%dma_start3A_36 : memref<128xi32, #tpu.memory_space<vmem>>) semaphore(%arg7 : memref<!tpu.dma_semaphore, #tpu.memory_space<semaphore_mem>>)
    %dma_wait3A_40 = arith.constant 2 : i32
    %dma_wait3A_41 = arith.constant 0 : i32
    %dma_wait3A_42 = tpu.memref_slice %arg5[%dma_wait3A_40, %dma_wait3A_41] : memref<16x128xi32, #tpu.memory_space<vmem>> -> memref<1x128xi32, #tpu.memory_space<vmem>>
    %dma_wait3A_43 = tpu.memref_squeeze %dma_wait3A_42 : memref<1x128xi32, #tpu.memory_space<vmem>> -> memref<128xi32, #tpu.memory_space<vmem>>
    %dma_wait3A_44 = arith.constant 0 : i32
    %dma_wait3A_45 = arith.constant 0 : i32
    %dma_wait3A_46 = tpu.memref_slice %arg2[%dma_wait3A_44, %dma_wait3A_45] : memref<8192x128xf32, #tpu.memory_space<hbm>> -> memref<8192x128xf32, #tpu.memory_space<hbm>>
    tpu.wait_indirect_dma semaphore(%arg7 : memref<!tpu.dma_semaphore, #tpu.memory_space<semaphore_mem>>) src(%dma_wait3A_46 : memref<8192x128xf32, #tpu.memory_space<hbm>>) dst(%arg6 : memref<128x128xf32, #tpu.memory_space<vmem>>)
    %add3A_47 = arith.constant 256 : i32
    %add3A_48 = arith.addi %mul3A_2, %add3A_47 : i32
    "tpu.region"() ({
      %run_scoped3A = tpu.sem_alloc : memref<!tpu.dma_semaphore, #tpu.memory_space<semaphore_mem>>
      %dma_start3A_257 = arith.constant 0 : i32
      %dma_start3A_258 = tpu.memref_slice %arg4[%add3A_48, %dma_start3A_257] : memref<65536x128xf32, #tpu.memory_space<hbm>> -> memref<128x128xf32, #tpu.memory_space<hbm>>
      %dma_start3A_259 = arith.constant 0 : i32
      %dma_start3A_260 = tpu.memref_slice %arg4[%add3A_48, %dma_start3A_259] : memref<65536x128xf32, #tpu.memory_space<hbm>> -> memref<128x128xf32, #tpu.memory_space<hbm>>
      tpu.enqueue_dma source(%arg6 : memref<128x128xf32, #tpu.memory_space<vmem>>) target(%dma_start3A_260 : memref<128x128xf32, #tpu.memory_space<hbm>>) target_semaphore(%run_scoped3A : memref<!tpu.dma_semaphore, #tpu.memory_space<semaphore_mem>>)
      %dma_wait3A_261 = arith.constant 0 : i32
      %dma_wait3A_262 = tpu.memref_slice %arg4[%add3A_48, %dma_wait3A_261] : memref<65536x128xf32, #tpu.memory_space<hbm>> -> memref<128x128xf32, #tpu.memory_space<hbm>>
      %dma_wait3A_263 = arith.constant 0 : i32
      %dma_wait3A_264 = tpu.memref_slice %arg4[%add3A_48, %dma_wait3A_263] : memref<65536x128xf32, #tpu.memory_space<hbm>> -> memref<128x128xf32, #tpu.memory_space<hbm>>
      tpu.wait_dma2 semaphore(%run_scoped3A : memref<!tpu.dma_semaphore, #tpu.memory_space<semaphore_mem>>) src(%arg6 : memref<128x128xf32, #tpu.memory_space<vmem>>) dst(%dma_wait3A_264 : memref<128x128xf32, #tpu.memory_space<hbm>>)
      tpu.yield
    }) : () -> ()
    %dma_start3A_49 = arith.constant 3 : i32
    %dma_start3A_50 = arith.constant 0 : i32
    %dma_start3A_51 = tpu.memref_slice %arg5[%dma_start3A_49, %dma_start3A_50] : memref<16x128xi32, #tpu.memory_space<vmem>> -> memref<1x128xi32, #tpu.memory_space<vmem>>
    %dma_start3A_52 = tpu.memref_squeeze %dma_start3A_51 : memref<1x128xi32, #tpu.memory_space<vmem>> -> memref<128xi32, #tpu.memory_space<vmem>>
    %dma_start3A_53 = arith.constant 0 : i32
    %dma_start3A_54 = arith.constant 0 : i32
    %dma_start3A_55 = tpu.memref_slice %arg2[%dma_start3A_53, %dma_start3A_54] : memref<8192x128xf32, #tpu.memory_space<hbm>> -> memref<8192x128xf32, #tpu.memory_space<hbm>>
    tpu.enqueue_indirect_dma source(%dma_start3A_55 : memref<8192x128xf32, #tpu.memory_space<hbm>>) target(%arg6 : memref<128x128xf32, #tpu.memory_space<vmem>>) offsets(%dma_start3A_52 : memref<128xi32, #tpu.memory_space<vmem>>) semaphore(%arg7 : memref<!tpu.dma_semaphore, #tpu.memory_space<semaphore_mem>>)
    %dma_wait3A_56 = arith.constant 3 : i32
    %dma_wait3A_57 = arith.constant 0 : i32
    %dma_wait3A_58 = tpu.memref_slice %arg5[%dma_wait3A_56, %dma_wait3A_57] : memref<16x128xi32, #tpu.memory_space<vmem>> -> memref<1x128xi32, #tpu.memory_space<vmem>>
    %dma_wait3A_59 = tpu.memref_squeeze %dma_wait3A_58 : memref<1x128xi32, #tpu.memory_space<vmem>> -> memref<128xi32, #tpu.memory_space<vmem>>
    %dma_wait3A_60 = arith.constant 0 : i32
    %dma_wait3A_61 = arith.constant 0 : i32
    %dma_wait3A_62 = tpu.memref_slice %arg2[%dma_wait3A_60, %dma_wait3A_61] : memref<8192x128xf32, #tpu.memory_space<hbm>> -> memref<8192x128xf32, #tpu.memory_space<hbm>>
    tpu.wait_indirect_dma semaphore(%arg7 : memref<!tpu.dma_semaphore, #tpu.memory_space<semaphore_mem>>) src(%dma_wait3A_62 : memref<8192x128xf32, #tpu.memory_space<hbm>>) dst(%arg6 : memref<128x128xf32, #tpu.memory_space<vmem>>)
    %add3A_63 = arith.constant 384 : i32
    %add3A_64 = arith.addi %mul3A_2, %add3A_63 : i32
    "tpu.region"() ({
      %run_scoped3A = tpu.sem_alloc : memref<!tpu.dma_semaphore, #tpu.memory_space<semaphore_mem>>
      %dma_start3A_257 = arith.constant 0 : i32
      %dma_start3A_258 = tpu.memref_slice %arg4[%add3A_64, %dma_start3A_257] : memref<65536x128xf32, #tpu.memory_space<hbm>> -> memref<128x128xf32, #tpu.memory_space<hbm>>
      %dma_start3A_259 = arith.constant 0 : i32
      %dma_start3A_260 = tpu.memref_slice %arg4[%add3A_64, %dma_start3A_259] : memref<65536x128xf32, #tpu.memory_space<hbm>> -> memref<128x128xf32, #tpu.memory_space<hbm>>
      tpu.enqueue_dma source(%arg6 : memref<128x128xf32, #tpu.memory_space<vmem>>) target(%dma_start3A_260 : memref<128x128xf32, #tpu.memory_space<hbm>>) target_semaphore(%run_scoped3A : memref<!tpu.dma_semaphore, #tpu.memory_space<semaphore_mem>>)
      %dma_wait3A_261 = arith.constant 0 : i32
      %dma_wait3A_262 = tpu.memref_slice %arg4[%add3A_64, %dma_wait3A_261] : memref<65536x128xf32, #tpu.memory_space<hbm>> -> memref<128x128xf32, #tpu.memory_space<hbm>>
      %dma_wait3A_263 = arith.constant 0 : i32
      %dma_wait3A_264 = tpu.memref_slice %arg4[%add3A_64, %dma_wait3A_263] : memref<65536x128xf32, #tpu.memory_space<hbm>> -> memref<128x128xf32, #tpu.memory_space<hbm>>
      tpu.wait_dma2 semaphore(%run_scoped3A : memref<!tpu.dma_semaphore, #tpu.memory_space<semaphore_mem>>) src(%arg6 : memref<128x128xf32, #tpu.memory_space<vmem>>) dst(%dma_wait3A_264 : memref<128x128xf32, #tpu.memory_space<hbm>>)
      tpu.yield
    }) : () -> ()
    %dma_start3A_65 = arith.constant 4 : i32
    %dma_start3A_66 = arith.constant 0 : i32
    %dma_start3A_67 = tpu.memref_slice %arg5[%dma_start3A_65, %dma_start3A_66] : memref<16x128xi32, #tpu.memory_space<vmem>> -> memref<1x128xi32, #tpu.memory_space<vmem>>
    %dma_start3A_68 = tpu.memref_squeeze %dma_start3A_67 : memref<1x128xi32, #tpu.memory_space<vmem>> -> memref<128xi32, #tpu.memory_space<vmem>>
    %dma_start3A_69 = arith.constant 0 : i32
    %dma_start3A_70 = arith.constant 0 : i32
    %dma_start3A_71 = tpu.memref_slice %arg2[%dma_start3A_69, %dma_start3A_70] : memref<8192x128xf32, #tpu.memory_space<hbm>> -> memref<8192x128xf32, #tpu.memory_space<hbm>>
    tpu.enqueue_indirect_dma source(%dma_start3A_71 : memref<8192x128xf32, #tpu.memory_space<hbm>>) target(%arg6 : memref<128x128xf32, #tpu.memory_space<vmem>>) offsets(%dma_start3A_68 : memref<128xi32, #tpu.memory_space<vmem>>) semaphore(%arg7 : memref<!tpu.dma_semaphore, #tpu.memory_space<semaphore_mem>>)
    %dma_wait3A_72 = arith.constant 4 : i32
    %dma_wait3A_73 = arith.constant 0 : i32
    %dma_wait3A_74 = tpu.memref_slice %arg5[%dma_wait3A_72, %dma_wait3A_73] : memref<16x128xi32, #tpu.memory_space<vmem>> -> memref<1x128xi32, #tpu.memory_space<vmem>>
    %dma_wait3A_75 = tpu.memref_squeeze %dma_wait3A_74 : memref<1x128xi32, #tpu.memory_space<vmem>> -> memref<128xi32, #tpu.memory_space<vmem>>
    %dma_wait3A_76 = arith.constant 0 : i32
    %dma_wait3A_77 = arith.constant 0 : i32
    %dma_wait3A_78 = tpu.memref_slice %arg2[%dma_wait3A_76, %dma_wait3A_77] : memref<8192x128xf32, #tpu.memory_space<hbm>> -> memref<8192x128xf32, #tpu.memory_space<hbm>>
    tpu.wait_indirect_dma semaphore(%arg7 : memref<!tpu.dma_semaphore, #tpu.memory_space<semaphore_mem>>) src(%dma_wait3A_78 : memref<8192x128xf32, #tpu.memory_space<hbm>>) dst(%arg6 : memref<128x128xf32, #tpu.memory_space<vmem>>)
    %add3A_79 = arith.constant 512 : i32
    %add3A_80 = arith.addi %mul3A_2, %add3A_79 : i32
    "tpu.region"() ({
      %run_scoped3A = tpu.sem_alloc : memref<!tpu.dma_semaphore, #tpu.memory_space<semaphore_mem>>
      %dma_start3A_257 = arith.constant 0 : i32
      %dma_start3A_258 = tpu.memref_slice %arg4[%add3A_80, %dma_start3A_257] : memref<65536x128xf32, #tpu.memory_space<hbm>> -> memref<128x128xf32, #tpu.memory_space<hbm>>
      %dma_start3A_259 = arith.constant 0 : i32
      %dma_start3A_260 = tpu.memref_slice %arg4[%add3A_80, %dma_start3A_259] : memref<65536x128xf32, #tpu.memory_space<hbm>> -> memref<128x128xf32, #tpu.memory_space<hbm>>
      tpu.enqueue_dma source(%arg6 : memref<128x128xf32, #tpu.memory_space<vmem>>) target(%dma_start3A_260 : memref<128x128xf32, #tpu.memory_space<hbm>>) target_semaphore(%run_scoped3A : memref<!tpu.dma_semaphore, #tpu.memory_space<semaphore_mem>>)
      %dma_wait3A_261 = arith.constant 0 : i32
      %dma_wait3A_262 = tpu.memref_slice %arg4[%add3A_80, %dma_wait3A_261] : memref<65536x128xf32, #tpu.memory_space<hbm>> -> memref<128x128xf32, #tpu.memory_space<hbm>>
      %dma_wait3A_263 = arith.constant 0 : i32
      %dma_wait3A_264 = tpu.memref_slice %arg4[%add3A_80, %dma_wait3A_263] : memref<65536x128xf32, #tpu.memory_space<hbm>> -> memref<128x128xf32, #tpu.memory_space<hbm>>
      tpu.wait_dma2 semaphore(%run_scoped3A : memref<!tpu.dma_semaphore, #tpu.memory_space<semaphore_mem>>) src(%arg6 : memref<128x128xf32, #tpu.memory_space<vmem>>) dst(%dma_wait3A_264 : memref<128x128xf32, #tpu.memory_space<hbm>>)
      tpu.yield
    }) : () -> ()
    %dma_start3A_81 = arith.constant 5 : i32
    %dma_start3A_82 = arith.constant 0 : i32
    %dma_start3A_83 = tpu.memref_slice %arg5[%dma_start3A_81, %dma_start3A_82] : memref<16x128xi32, #tpu.memory_space<vmem>> -> memref<1x128xi32, #tpu.memory_space<vmem>>
    %dma_start3A_84 = tpu.memref_squeeze %dma_start3A_83 : memref<1x128xi32, #tpu.memory_space<vmem>> -> memref<128xi32, #tpu.memory_space<vmem>>
    %dma_start3A_85 = arith.constant 0 : i32
    %dma_start3A_86 = arith.constant 0 : i32
    %dma_start3A_87 = tpu.memref_slice %arg2[%dma_start3A_85, %dma_start3A_86] : memref<8192x128xf32, #tpu.memory_space<hbm>> -> memref<8192x128xf32, #tpu.memory_space<hbm>>
    tpu.enqueue_indirect_dma source(%dma_start3A_87 : memref<8192x128xf32, #tpu.memory_space<hbm>>) target(%arg6 : memref<128x128xf32, #tpu.memory_space<vmem>>) offsets(%dma_start3A_84 : memref<128xi32, #tpu.memory_space<vmem>>) semaphore(%arg7 : memref<!tpu.dma_semaphore, #tpu.memory_space<semaphore_mem>>)
    %dma_wait3A_88 = arith.constant 5 : i32
    %dma_wait3A_89 = arith.constant 0 : i32
    %dma_wait3A_90 = tpu.memref_slice %arg5[%dma_wait3A_88, %dma_wait3A_89] : memref<16x128xi32, #tpu.memory_space<vmem>> -> memref<1x128xi32, #tpu.memory_space<vmem>>
    %dma_wait3A_91 = tpu.memref_squeeze %dma_wait3A_90 : memref<1x128xi32, #tpu.memory_space<vmem>> -> memref<128xi32, #tpu.memory_space<vmem>>
    %dma_wait3A_92 = arith.constant 0 : i32
    %dma_wait3A_93 = arith.constant 0 : i32
    %dma_wait3A_94 = tpu.memref_slice %arg2[%dma_wait3A_92, %dma_wait3A_93] : memref<8192x128xf32, #tpu.memory_space<hbm>> -> memref<8192x128xf32, #tpu.memory_space<hbm>>
    tpu.wait_indirect_dma semaphore(%arg7 : memref<!tpu.dma_semaphore, #tpu.memory_space<semaphore_mem>>) src(%dma_wait3A_94 : memref<8192x128xf32, #tpu.memory_space<hbm>>) dst(%arg6 : memref<128x128xf32, #tpu.memory_space<vmem>>)
    %add3A_95 = arith.constant 640 : i32
    %add3A_96 = arith.addi %mul3A_2, %add3A_95 : i32
    "tpu.region"() ({
      %run_scoped3A = tpu.sem_alloc : memref<!tpu.dma_semaphore, #tpu.memory_space<semaphore_mem>>
      %dma_start3A_257 = arith.constant 0 : i32
      %dma_start3A_258 = tpu.memref_slice %arg4[%add3A_96, %dma_start3A_257] : memref<65536x128xf32, #tpu.memory_space<hbm>> -> memref<128x128xf32, #tpu.memory_space<hbm>>
      %dma_start3A_259 = arith.constant 0 : i32
      %dma_start3A_260 = tpu.memref_slice %arg4[%add3A_96, %dma_start3A_259] : memref<65536x128xf32, #tpu.memory_space<hbm>> -> memref<128x128xf32, #tpu.memory_space<hbm>>
      tpu.enqueue_dma source(%arg6 : memref<128x128xf32, #tpu.memory_space<vmem>>) target(%dma_start3A_260 : memref<128x128xf32, #tpu.memory_space<hbm>>) target_semaphore(%run_scoped3A : memref<!tpu.dma_semaphore, #tpu.memory_space<semaphore_mem>>)
      %dma_wait3A_261 = arith.constant 0 : i32
      %dma_wait3A_262 = tpu.memref_slice %arg4[%add3A_96, %dma_wait3A_261] : memref<65536x128xf32, #tpu.memory_space<hbm>> -> memref<128x128xf32, #tpu.memory_space<hbm>>
      %dma_wait3A_263 = arith.constant 0 : i32
      %dma_wait3A_264 = tpu.memref_slice %arg4[%add3A_96, %dma_wait3A_263] : memref<65536x128xf32, #tpu.memory_space<hbm>> -> memref<128x128xf32, #tpu.memory_space<hbm>>
      tpu.wait_dma2 semaphore(%run_scoped3A : memref<!tpu.dma_semaphore, #tpu.memory_space<semaphore_mem>>) src(%arg6 : memref<128x128xf32, #tpu.memory_space<vmem>>) dst(%dma_wait3A_264 : memref<128x128xf32, #tpu.memory_space<hbm>>)
      tpu.yield
    }) : () -> ()
    %dma_start3A_97 = arith.constant 6 : i32
    %dma_start3A_98 = arith.constant 0 : i32
    %dma_start3A_99 = tpu.memref_slice %arg5[%dma_start3A_97, %dma_start3A_98] : memref<16x128xi32, #tpu.memory_space<vmem>> -> memref<1x128xi32, #tpu.memory_space<vmem>>
    %dma_start3A_100 = tpu.memref_squeeze %dma_start3A_99 : memref<1x128xi32, #tpu.memory_space<vmem>> -> memref<128xi32, #tpu.memory_space<vmem>>
    %dma_start3A_101 = arith.constant 0 : i32
    %dma_start3A_102 = arith.constant 0 : i32
    %dma_start3A_103 = tpu.memref_slice %arg2[%dma_start3A_101, %dma_start3A_102] : memref<8192x128xf32, #tpu.memory_space<hbm>> -> memref<8192x128xf32, #tpu.memory_space<hbm>>
    tpu.enqueue_indirect_dma source(%dma_start3A_103 : memref<8192x128xf32, #tpu.memory_space<hbm>>) target(%arg6 : memref<128x128xf32, #tpu.memory_space<vmem>>) offsets(%dma_start3A_100 : memref<128xi32, #tpu.memory_space<vmem>>) semaphore(%arg7 : memref<!tpu.dma_semaphore, #tpu.memory_space<semaphore_mem>>)
    %dma_wait3A_104 = arith.constant 6 : i32
    %dma_wait3A_105 = arith.constant 0 : i32
    %dma_wait3A_106 = tpu.memref_slice %arg5[%dma_wait3A_104, %dma_wait3A_105] : memref<16x128xi32, #tpu.memory_space<vmem>> -> memref<1x128xi32, #tpu.memory_space<vmem>>
    %dma_wait3A_107 = tpu.memref_squeeze %dma_wait3A_106 : memref<1x128xi32, #tpu.memory_space<vmem>> -> memref<128xi32, #tpu.memory_space<vmem>>
    %dma_wait3A_108 = arith.constant 0 : i32
    %dma_wait3A_109 = arith.constant 0 : i32
    %dma_wait3A_110 = tpu.memref_slice %arg2[%dma_wait3A_108, %dma_wait3A_109] : memref<8192x128xf32, #tpu.memory_space<hbm>> -> memref<8192x128xf32, #tpu.memory_space<hbm>>
    tpu.wait_indirect_dma semaphore(%arg7 : memref<!tpu.dma_semaphore, #tpu.memory_space<semaphore_mem>>) src(%dma_wait3A_110 : memref<8192x128xf32, #tpu.memory_space<hbm>>) dst(%arg6 : memref<128x128xf32, #tpu.memory_space<vmem>>)
    %add3A_111 = arith.constant 768 : i32
    %add3A_112 = arith.addi %mul3A_2, %add3A_111 : i32
    "tpu.region"() ({
      %run_scoped3A = tpu.sem_alloc : memref<!tpu.dma_semaphore, #tpu.memory_space<semaphore_mem>>
      %dma_start3A_257 = arith.constant 0 : i32
      %dma_start3A_258 = tpu.memref_slice %arg4[%add3A_112, %dma_start3A_257] : memref<65536x128xf32, #tpu.memory_space<hbm>> -> memref<128x128xf32, #tpu.memory_space<hbm>>
      %dma_start3A_259 = arith.constant 0 : i32
      %dma_start3A_260 = tpu.memref_slice %arg4[%add3A_112, %dma_start3A_259] : memref<65536x128xf32, #tpu.memory_space<hbm>> -> memref<128x128xf32, #tpu.memory_space<hbm>>
      tpu.enqueue_dma source(%arg6 : memref<128x128xf32, #tpu.memory_space<vmem>>) target(%dma_start3A_260 : memref<128x128xf32, #tpu.memory_space<hbm>>) target_semaphore(%run_scoped3A : memref<!tpu.dma_semaphore, #tpu.memory_space<semaphore_mem>>)
      %dma_wait3A_261 = arith.constant 0 : i32
      %dma_wait3A_262 = tpu.memref_slice %arg4[%add3A_112, %dma_wait3A_261] : memref<65536x128xf32, #tpu.memory_space<hbm>> -> memref<128x128xf32, #tpu.memory_space<hbm>>
      %dma_wait3A_263 = arith.constant 0 : i32
      %dma_wait3A_264 = tpu.memref_slice %arg4[%add3A_112, %dma_wait3A_263] : memref<65536x128xf32, #tpu.memory_space<hbm>> -> memref<128x128xf32, #tpu.memory_space<hbm>>
      tpu.wait_dma2 semaphore(%run_scoped3A : memref<!tpu.dma_semaphore, #tpu.memory_space<semaphore_mem>>) src(%arg6 : memref<128x128xf32, #tpu.memory_space<vmem>>) dst(%dma_wait3A_264 : memref<128x128xf32, #tpu.memory_space<hbm>>)
      tpu.yield
    }) : () -> ()
    %dma_start3A_113 = arith.constant 7 : i32
    %dma_start3A_114 = arith.constant 0 : i32
    %dma_start3A_115 = tpu.memref_slice %arg5[%dma_start3A_113, %dma_start3A_114] : memref<16x128xi32, #tpu.memory_space<vmem>> -> memref<1x128xi32, #tpu.memory_space<vmem>>
    %dma_start3A_116 = tpu.memref_squeeze %dma_start3A_115 : memref<1x128xi32, #tpu.memory_space<vmem>> -> memref<128xi32, #tpu.memory_space<vmem>>
    %dma_start3A_117 = arith.constant 0 : i32
    %dma_start3A_118 = arith.constant 0 : i32
    %dma_start3A_119 = tpu.memref_slice %arg2[%dma_start3A_117, %dma_start3A_118] : memref<8192x128xf32, #tpu.memory_space<hbm>> -> memref<8192x128xf32, #tpu.memory_space<hbm>>
    tpu.enqueue_indirect_dma source(%dma_start3A_119 : memref<8192x128xf32, #tpu.memory_space<hbm>>) target(%arg6 : memref<128x128xf32, #tpu.memory_space<vmem>>) offsets(%dma_start3A_116 : memref<128xi32, #tpu.memory_space<vmem>>) semaphore(%arg7 : memref<!tpu.dma_semaphore, #tpu.memory_space<semaphore_mem>>)
    %dma_wait3A_120 = arith.constant 7 : i32
    %dma_wait3A_121 = arith.constant 0 : i32
    %dma_wait3A_122 = tpu.memref_slice %arg5[%dma_wait3A_120, %dma_wait3A_121] : memref<16x128xi32, #tpu.memory_space<vmem>> -> memref<1x128xi32, #tpu.memory_space<vmem>>
    %dma_wait3A_123 = tpu.memref_squeeze %dma_wait3A_122 : memref<1x128xi32, #tpu.memory_space<vmem>> -> memref<128xi32, #tpu.memory_space<vmem>>
    %dma_wait3A_124 = arith.constant 0 : i32
    %dma_wait3A_125 = arith.constant 0 : i32
    %dma_wait3A_126 = tpu.memref_slice %arg2[%dma_wait3A_124, %dma_wait3A_125] : memref<8192x128xf32, #tpu.memory_space<hbm>> -> memref<8192x128xf32, #tpu.memory_space<hbm>>
    tpu.wait_indirect_dma semaphore(%arg7 : memref<!tpu.dma_semaphore, #tpu.memory_space<semaphore_mem>>) src(%dma_wait3A_126 : memref<8192x128xf32, #tpu.memory_space<hbm>>) dst(%arg6 : memref<128x128xf32, #tpu.memory_space<vmem>>)
    %add3A_127 = arith.constant 896 : i32
    %add3A_128 = arith.addi %mul3A_2, %add3A_127 : i32
    "tpu.region"() ({
      %run_scoped3A = tpu.sem_alloc : memref<!tpu.dma_semaphore, #tpu.memory_space<semaphore_mem>>
      %dma_start3A_257 = arith.constant 0 : i32
      %dma_start3A_258 = tpu.memref_slice %arg4[%add3A_128, %dma_start3A_257] : memref<65536x128xf32, #tpu.memory_space<hbm>> -> memref<128x128xf32, #tpu.memory_space<hbm>>
      %dma_start3A_259 = arith.constant 0 : i32
      %dma_start3A_260 = tpu.memref_slice %arg4[%add3A_128, %dma_start3A_259] : memref<65536x128xf32, #tpu.memory_space<hbm>> -> memref<128x128xf32, #tpu.memory_space<hbm>>
      tpu.enqueue_dma source(%arg6 : memref<128x128xf32, #tpu.memory_space<vmem>>) target(%dma_start3A_260 : memref<128x128xf32, #tpu.memory_space<hbm>>) target_semaphore(%run_scoped3A : memref<!tpu.dma_semaphore, #tpu.memory_space<semaphore_mem>>)
      %dma_wait3A_261 = arith.constant 0 : i32
      %dma_wait3A_262 = tpu.memref_slice %arg4[%add3A_128, %dma_wait3A_261] : memref<65536x128xf32, #tpu.memory_space<hbm>> -> memref<128x128xf32, #tpu.memory_space<hbm>>
      %dma_wait3A_263 = arith.constant 0 : i32
      %dma_wait3A_264 = tpu.memref_slice %arg4[%add3A_128, %dma_wait3A_263] : memref<65536x128xf32, #tpu.memory_space<hbm>> -> memref<128x128xf32, #tpu.memory_space<hbm>>
      tpu.wait_dma2 semaphore(%run_scoped3A : memref<!tpu.dma_semaphore, #tpu.memory_space<semaphore_mem>>) src(%arg6 : memref<128x128xf32, #tpu.memory_space<vmem>>) dst(%dma_wait3A_264 : memref<128x128xf32, #tpu.memory_space<hbm>>)
      tpu.yield
    }) : () -> ()
    %dma_start3A_129 = arith.constant 8 : i32
    %dma_start3A_130 = arith.constant 0 : i32
    %dma_start3A_131 = tpu.memref_slice %arg5[%dma_start3A_129, %dma_start3A_130] : memref<16x128xi32, #tpu.memory_space<vmem>> -> memref<1x128xi32, #tpu.memory_space<vmem>>
    %dma_start3A_132 = tpu.memref_squeeze %dma_start3A_131 : memref<1x128xi32, #tpu.memory_space<vmem>> -> memref<128xi32, #tpu.memory_space<vmem>>
    %dma_start3A_133 = arith.constant 0 : i32
    %dma_start3A_134 = arith.constant 0 : i32
    %dma_start3A_135 = tpu.memref_slice %arg2[%dma_start3A_133, %dma_start3A_134] : memref<8192x128xf32, #tpu.memory_space<hbm>> -> memref<8192x128xf32, #tpu.memory_space<hbm>>
    tpu.enqueue_indirect_dma source(%dma_start3A_135 : memref<8192x128xf32, #tpu.memory_space<hbm>>) target(%arg6 : memref<128x128xf32, #tpu.memory_space<vmem>>) offsets(%dma_start3A_132 : memref<128xi32, #tpu.memory_space<vmem>>) semaphore(%arg7 : memref<!tpu.dma_semaphore, #tpu.memory_space<semaphore_mem>>)
    %dma_wait3A_136 = arith.constant 8 : i32
    %dma_wait3A_137 = arith.constant 0 : i32
    %dma_wait3A_138 = tpu.memref_slice %arg5[%dma_wait3A_136, %dma_wait3A_137] : memref<16x128xi32, #tpu.memory_space<vmem>> -> memref<1x128xi32, #tpu.memory_space<vmem>>
    %dma_wait3A_139 = tpu.memref_squeeze %dma_wait3A_138 : memref<1x128xi32, #tpu.memory_space<vmem>> -> memref<128xi32, #tpu.memory_space<vmem>>
    %dma_wait3A_140 = arith.constant 0 : i32
    %dma_wait3A_141 = arith.constant 0 : i32
    %dma_wait3A_142 = tpu.memref_slice %arg2[%dma_wait3A_140, %dma_wait3A_141] : memref<8192x128xf32, #tpu.memory_space<hbm>> -> memref<8192x128xf32, #tpu.memory_space<hbm>>
    tpu.wait_indirect_dma semaphore(%arg7 : memref<!tpu.dma_semaphore, #tpu.memory_space<semaphore_mem>>) src(%dma_wait3A_142 : memref<8192x128xf32, #tpu.memory_space<hbm>>) dst(%arg6 : memref<128x128xf32, #tpu.memory_space<vmem>>)
    %add3A_143 = arith.constant 1024 : i32
    %add3A_144 = arith.addi %mul3A_2, %add3A_143 : i32
    "tpu.region"() ({
      %run_scoped3A = tpu.sem_alloc : memref<!tpu.dma_semaphore, #tpu.memory_space<semaphore_mem>>
      %dma_start3A_257 = arith.constant 0 : i32
      %dma_start3A_258 = tpu.memref_slice %arg4[%add3A_144, %dma_start3A_257] : memref<65536x128xf32, #tpu.memory_space<hbm>> -> memref<128x128xf32, #tpu.memory_space<hbm>>
      %dma_start3A_259 = arith.constant 0 : i32
      %dma_start3A_260 = tpu.memref_slice %arg4[%add3A_144, %dma_start3A_259] : memref<65536x128xf32, #tpu.memory_space<hbm>> -> memref<128x128xf32, #tpu.memory_space<hbm>>
      tpu.enqueue_dma source(%arg6 : memref<128x128xf32, #tpu.memory_space<vmem>>) target(%dma_start3A_260 : memref<128x128xf32, #tpu.memory_space<hbm>>) target_semaphore(%run_scoped3A : memref<!tpu.dma_semaphore, #tpu.memory_space<semaphore_mem>>)
      %dma_wait3A_261 = arith.constant 0 : i32
      %dma_wait3A_262 = tpu.memref_slice %arg4[%add3A_144, %dma_wait3A_261] : memref<65536x128xf32, #tpu.memory_space<hbm>> -> memref<128x128xf32, #tpu.memory_space<hbm>>
      %dma_wait3A_263 = arith.constant 0 : i32
      %dma_wait3A_264 = tpu.memref_slice %arg4[%add3A_144, %dma_wait3A_263] : memref<65536x128xf32, #tpu.memory_space<hbm>> -> memref<128x128xf32, #tpu.memory_space<hbm>>
      tpu.wait_dma2 semaphore(%run_scoped3A : memref<!tpu.dma_semaphore, #tpu.memory_space<semaphore_mem>>) src(%arg6 : memref<128x128xf32, #tpu.memory_space<vmem>>) dst(%dma_wait3A_264 : memref<128x128xf32, #tpu.memory_space<hbm>>)
      tpu.yield
    }) : () -> ()
    %dma_start3A_145 = arith.constant 9 : i32
    %dma_start3A_146 = arith.constant 0 : i32
    %dma_start3A_147 = tpu.memref_slice %arg5[%dma_start3A_145, %dma_start3A_146] : memref<16x128xi32, #tpu.memory_space<vmem>> -> memref<1x128xi32, #tpu.memory_space<vmem>>
    %dma_start3A_148 = tpu.memref_squeeze %dma_start3A_147 : memref<1x128xi32, #tpu.memory_space<vmem>> -> memref<128xi32, #tpu.memory_space<vmem>>
    %dma_start3A_149 = arith.constant 0 : i32
    %dma_start3A_150 = arith.constant 0 : i32
    %dma_start3A_151 = tpu.memref_slice %arg2[%dma_start3A_149, %dma_start3A_150] : memref<8192x128xf32, #tpu.memory_space<hbm>> -> memref<8192x128xf32, #tpu.memory_space<hbm>>
    tpu.enqueue_indirect_dma source(%dma_start3A_151 : memref<8192x128xf32, #tpu.memory_space<hbm>>) target(%arg6 : memref<128x128xf32, #tpu.memory_space<vmem>>) offsets(%dma_start3A_148 : memref<128xi32, #tpu.memory_space<vmem>>) semaphore(%arg7 : memref<!tpu.dma_semaphore, #tpu.memory_space<semaphore_mem>>)
    %dma_wait3A_152 = arith.constant 9 : i32
    %dma_wait3A_153 = arith.constant 0 : i32
    %dma_wait3A_154 = tpu.memref_slice %arg5[%dma_wait3A_152, %dma_wait3A_153] : memref<16x128xi32, #tpu.memory_space<vmem>> -> memref<1x128xi32, #tpu.memory_space<vmem>>
    %dma_wait3A_155 = tpu.memref_squeeze %dma_wait3A_154 : memref<1x128xi32, #tpu.memory_space<vmem>> -> memref<128xi32, #tpu.memory_space<vmem>>
    %dma_wait3A_156 = arith.constant 0 : i32
    %dma_wait3A_157 = arith.constant 0 : i32
    %dma_wait3A_158 = tpu.memref_slice %arg2[%dma_wait3A_156, %dma_wait3A_157] : memref<8192x128xf32, #tpu.memory_space<hbm>> -> memref<8192x128xf32, #tpu.memory_space<hbm>>
    tpu.wait_indirect_dma semaphore(%arg7 : memref<!tpu.dma_semaphore, #tpu.memory_space<semaphore_mem>>) src(%dma_wait3A_158 : memref<8192x128xf32, #tpu.memory_space<hbm>>) dst(%arg6 : memref<128x128xf32, #tpu.memory_space<vmem>>)
    %add3A_159 = arith.constant 1152 : i32
    %add3A_160 = arith.addi %mul3A_2, %add3A_159 : i32
    "tpu.region"() ({
      %run_scoped3A = tpu.sem_alloc : memref<!tpu.dma_semaphore, #tpu.memory_space<semaphore_mem>>
      %dma_start3A_257 = arith.constant 0 : i32
      %dma_start3A_258 = tpu.memref_slice %arg4[%add3A_160, %dma_start3A_257] : memref<65536x128xf32, #tpu.memory_space<hbm>> -> memref<128x128xf32, #tpu.memory_space<hbm>>
      %dma_start3A_259 = arith.constant 0 : i32
      %dma_start3A_260 = tpu.memref_slice %arg4[%add3A_160, %dma_start3A_259] : memref<65536x128xf32, #tpu.memory_space<hbm>> -> memref<128x128xf32, #tpu.memory_space<hbm>>
      tpu.enqueue_dma source(%arg6 : memref<128x128xf32, #tpu.memory_space<vmem>>) target(%dma_start3A_260 : memref<128x128xf32, #tpu.memory_space<hbm>>) target_semaphore(%run_scoped3A : memref<!tpu.dma_semaphore, #tpu.memory_space<semaphore_mem>>)
      %dma_wait3A_261 = arith.constant 0 : i32
      %dma_wait3A_262 = tpu.memref_slice %arg4[%add3A_160, %dma_wait3A_261] : memref<65536x128xf32, #tpu.memory_space<hbm>> -> memref<128x128xf32, #tpu.memory_space<hbm>>
      %dma_wait3A_263 = arith.constant 0 : i32
      %dma_wait3A_264 = tpu.memref_slice %arg4[%add3A_160, %dma_wait3A_263] : memref<65536x128xf32, #tpu.memory_space<hbm>> -> memref<128x128xf32, #tpu.memory_space<hbm>>
      tpu.wait_dma2 semaphore(%run_scoped3A : memref<!tpu.dma_semaphore, #tpu.memory_space<semaphore_mem>>) src(%arg6 : memref<128x128xf32, #tpu.memory_space<vmem>>) dst(%dma_wait3A_264 : memref<128x128xf32, #tpu.memory_space<hbm>>)
      tpu.yield
    }) : () -> ()
    %dma_start3A_161 = arith.constant 10 : i32
    %dma_start3A_162 = arith.constant 0 : i32
    %dma_start3A_163 = tpu.memref_slice %arg5[%dma_start3A_161, %dma_start3A_162] : memref<16x128xi32, #tpu.memory_space<vmem>> -> memref<1x128xi32, #tpu.memory_space<vmem>>
    %dma_start3A_164 = tpu.memref_squeeze %dma_start3A_163 : memref<1x128xi32, #tpu.memory_space<vmem>> -> memref<128xi32, #tpu.memory_space<vmem>>
    %dma_start3A_165 = arith.constant 0 : i32
    %dma_start3A_166 = arith.constant 0 : i32
    %dma_start3A_167 = tpu.memref_slice %arg2[%dma_start3A_165, %dma_start3A_166] : memref<8192x128xf32, #tpu.memory_space<hbm>> -> memref<8192x128xf32, #tpu.memory_space<hbm>>
    tpu.enqueue_indirect_dma source(%dma_start3A_167 : memref<8192x128xf32, #tpu.memory_space<hbm>>) target(%arg6 : memref<128x128xf32, #tpu.memory_space<vmem>>) offsets(%dma_start3A_164 : memref<128xi32, #tpu.memory_space<vmem>>) semaphore(%arg7 : memref<!tpu.dma_semaphore, #tpu.memory_space<semaphore_mem>>)
    %dma_wait3A_168 = arith.constant 10 : i32
    %dma_wait3A_169 = arith.constant 0 : i32
    %dma_wait3A_170 = tpu.memref_slice %arg5[%dma_wait3A_168, %dma_wait3A_169] : memref<16x128xi32, #tpu.memory_space<vmem>> -> memref<1x128xi32, #tpu.memory_space<vmem>>
    %dma_wait3A_171 = tpu.memref_squeeze %dma_wait3A_170 : memref<1x128xi32, #tpu.memory_space<vmem>> -> memref<128xi32, #tpu.memory_space<vmem>>
    %dma_wait3A_172 = arith.constant 0 : i32
    %dma_wait3A_173 = arith.constant 0 : i32
    %dma_wait3A_174 = tpu.memref_slice %arg2[%dma_wait3A_172, %dma_wait3A_173] : memref<8192x128xf32, #tpu.memory_space<hbm>> -> memref<8192x128xf32, #tpu.memory_space<hbm>>
    tpu.wait_indirect_dma semaphore(%arg7 : memref<!tpu.dma_semaphore, #tpu.memory_space<semaphore_mem>>) src(%dma_wait3A_174 : memref<8192x128xf32, #tpu.memory_space<hbm>>) dst(%arg6 : memref<128x128xf32, #tpu.memory_space<vmem>>)
    %add3A_175 = arith.constant 1280 : i32
    %add3A_176 = arith.addi %mul3A_2, %add3A_175 : i32
    "tpu.region"() ({
      %run_scoped3A = tpu.sem_alloc : memref<!tpu.dma_semaphore, #tpu.memory_space<semaphore_mem>>
      %dma_start3A_257 = arith.constant 0 : i32
      %dma_start3A_258 = tpu.memref_slice %arg4[%add3A_176, %dma_start3A_257] : memref<65536x128xf32, #tpu.memory_space<hbm>> -> memref<128x128xf32, #tpu.memory_space<hbm>>
      %dma_start3A_259 = arith.constant 0 : i32
      %dma_start3A_260 = tpu.memref_slice %arg4[%add3A_176, %dma_start3A_259] : memref<65536x128xf32, #tpu.memory_space<hbm>> -> memref<128x128xf32, #tpu.memory_space<hbm>>
      tpu.enqueue_dma source(%arg6 : memref<128x128xf32, #tpu.memory_space<vmem>>) target(%dma_start3A_260 : memref<128x128xf32, #tpu.memory_space<hbm>>) target_semaphore(%run_scoped3A : memref<!tpu.dma_semaphore, #tpu.memory_space<semaphore_mem>>)
      %dma_wait3A_261 = arith.constant 0 : i32
      %dma_wait3A_262 = tpu.memref_slice %arg4[%add3A_176, %dma_wait3A_261] : memref<65536x128xf32, #tpu.memory_space<hbm>> -> memref<128x128xf32, #tpu.memory_space<hbm>>
      %dma_wait3A_263 = arith.constant 0 : i32
      %dma_wait3A_264 = tpu.memref_slice %arg4[%add3A_176, %dma_wait3A_263] : memref<65536x128xf32, #tpu.memory_space<hbm>> -> memref<128x128xf32, #tpu.memory_space<hbm>>
      tpu.wait_dma2 semaphore(%run_scoped3A : memref<!tpu.dma_semaphore, #tpu.memory_space<semaphore_mem>>) src(%arg6 : memref<128x128xf32, #tpu.memory_space<vmem>>) dst(%dma_wait3A_264 : memref<128x128xf32, #tpu.memory_space<hbm>>)
      tpu.yield
    }) : () -> ()
    %dma_start3A_177 = arith.constant 11 : i32
    %dma_start3A_178 = arith.constant 0 : i32
    %dma_start3A_179 = tpu.memref_slice %arg5[%dma_start3A_177, %dma_start3A_178] : memref<16x128xi32, #tpu.memory_space<vmem>> -> memref<1x128xi32, #tpu.memory_space<vmem>>
    %dma_start3A_180 = tpu.memref_squeeze %dma_start3A_179 : memref<1x128xi32, #tpu.memory_space<vmem>> -> memref<128xi32, #tpu.memory_space<vmem>>
    %dma_start3A_181 = arith.constant 0 : i32
    %dma_start3A_182 = arith.constant 0 : i32
    %dma_start3A_183 = tpu.memref_slice %arg2[%dma_start3A_181, %dma_start3A_182] : memref<8192x128xf32, #tpu.memory_space<hbm>> -> memref<8192x128xf32, #tpu.memory_space<hbm>>
    tpu.enqueue_indirect_dma source(%dma_start3A_183 : memref<8192x128xf32, #tpu.memory_space<hbm>>) target(%arg6 : memref<128x128xf32, #tpu.memory_space<vmem>>) offsets(%dma_start3A_180 : memref<128xi32, #tpu.memory_space<vmem>>) semaphore(%arg7 : memref<!tpu.dma_semaphore, #tpu.memory_space<semaphore_mem>>)
    %dma_wait3A_184 = arith.constant 11 : i32
    %dma_wait3A_185 = arith.constant 0 : i32
    %dma_wait3A_186 = tpu.memref_slice %arg5[%dma_wait3A_184, %dma_wait3A_185] : memref<16x128xi32, #tpu.memory_space<vmem>> -> memref<1x128xi32, #tpu.memory_space<vmem>>
    %dma_wait3A_187 = tpu.memref_squeeze %dma_wait3A_186 : memref<1x128xi32, #tpu.memory_space<vmem>> -> memref<128xi32, #tpu.memory_space<vmem>>
    %dma_wait3A_188 = arith.constant 0 : i32
    %dma_wait3A_189 = arith.constant 0 : i32
    %dma_wait3A_190 = tpu.memref_slice %arg2[%dma_wait3A_188, %dma_wait3A_189] : memref<8192x128xf32, #tpu.memory_space<hbm>> -> memref<8192x128xf32, #tpu.memory_space<hbm>>
    tpu.wait_indirect_dma semaphore(%arg7 : memref<!tpu.dma_semaphore, #tpu.memory_space<semaphore_mem>>) src(%dma_wait3A_190 : memref<8192x128xf32, #tpu.memory_space<hbm>>) dst(%arg6 : memref<128x128xf32, #tpu.memory_space<vmem>>)
    %add3A_191 = arith.constant 1408 : i32
    %add3A_192 = arith.addi %mul3A_2, %add3A_191 : i32
    "tpu.region"() ({
      %run_scoped3A = tpu.sem_alloc : memref<!tpu.dma_semaphore, #tpu.memory_space<semaphore_mem>>
      %dma_start3A_257 = arith.constant 0 : i32
      %dma_start3A_258 = tpu.memref_slice %arg4[%add3A_192, %dma_start3A_257] : memref<65536x128xf32, #tpu.memory_space<hbm>> -> memref<128x128xf32, #tpu.memory_space<hbm>>
      %dma_start3A_259 = arith.constant 0 : i32
      %dma_start3A_260 = tpu.memref_slice %arg4[%add3A_192, %dma_start3A_259] : memref<65536x128xf32, #tpu.memory_space<hbm>> -> memref<128x128xf32, #tpu.memory_space<hbm>>
      tpu.enqueue_dma source(%arg6 : memref<128x128xf32, #tpu.memory_space<vmem>>) target(%dma_start3A_260 : memref<128x128xf32, #tpu.memory_space<hbm>>) target_semaphore(%run_scoped3A : memref<!tpu.dma_semaphore, #tpu.memory_space<semaphore_mem>>)
      %dma_wait3A_261 = arith.constant 0 : i32
      %dma_wait3A_262 = tpu.memref_slice %arg4[%add3A_192, %dma_wait3A_261] : memref<65536x128xf32, #tpu.memory_space<hbm>> -> memref<128x128xf32, #tpu.memory_space<hbm>>
      %dma_wait3A_263 = arith.constant 0 : i32
      %dma_wait3A_264 = tpu.memref_slice %arg4[%add3A_192, %dma_wait3A_263] : memref<65536x128xf32, #tpu.memory_space<hbm>> -> memref<128x128xf32, #tpu.memory_space<hbm>>
      tpu.wait_dma2 semaphore(%run_scoped3A : memref<!tpu.dma_semaphore, #tpu.memory_space<semaphore_mem>>) src(%arg6 : memref<128x128xf32, #tpu.memory_space<vmem>>) dst(%dma_wait3A_264 : memref<128x128xf32, #tpu.memory_space<hbm>>)
      tpu.yield
    }) : () -> ()
    %dma_start3A_193 = arith.constant 12 : i32
    %dma_start3A_194 = arith.constant 0 : i32
    %dma_start3A_195 = tpu.memref_slice %arg5[%dma_start3A_193, %dma_start3A_194] : memref<16x128xi32, #tpu.memory_space<vmem>> -> memref<1x128xi32, #tpu.memory_space<vmem>>
    %dma_start3A_196 = tpu.memref_squeeze %dma_start3A_195 : memref<1x128xi32, #tpu.memory_space<vmem>> -> memref<128xi32, #tpu.memory_space<vmem>>
    %dma_start3A_197 = arith.constant 0 : i32
    %dma_start3A_198 = arith.constant 0 : i32
    %dma_start3A_199 = tpu.memref_slice %arg2[%dma_start3A_197, %dma_start3A_198] : memref<8192x128xf32, #tpu.memory_space<hbm>> -> memref<8192x128xf32, #tpu.memory_space<hbm>>
    tpu.enqueue_indirect_dma source(%dma_start3A_199 : memref<8192x128xf32, #tpu.memory_space<hbm>>) target(%arg6 : memref<128x128xf32, #tpu.memory_space<vmem>>) offsets(%dma_start3A_196 : memref<128xi32, #tpu.memory_space<vmem>>) semaphore(%arg7 : memref<!tpu.dma_semaphore, #tpu.memory_space<semaphore_mem>>)
    %dma_wait3A_200 = arith.constant 12 : i32
    %dma_wait3A_201 = arith.constant 0 : i32
    %dma_wait3A_202 = tpu.memref_slice %arg5[%dma_wait3A_200, %dma_wait3A_201] : memref<16x128xi32, #tpu.memory_space<vmem>> -> memref<1x128xi32, #tpu.memory_space<vmem>>
    %dma_wait3A_203 = tpu.memref_squeeze %dma_wait3A_202 : memref<1x128xi32, #tpu.memory_space<vmem>> -> memref<128xi32, #tpu.memory_space<vmem>>
    %dma_wait3A_204 = arith.constant 0 : i32
    %dma_wait3A_205 = arith.constant 0 : i32
    %dma_wait3A_206 = tpu.memref_slice %arg2[%dma_wait3A_204, %dma_wait3A_205] : memref<8192x128xf32, #tpu.memory_space<hbm>> -> memref<8192x128xf32, #tpu.memory_space<hbm>>
    tpu.wait_indirect_dma semaphore(%arg7 : memref<!tpu.dma_semaphore, #tpu.memory_space<semaphore_mem>>) src(%dma_wait3A_206 : memref<8192x128xf32, #tpu.memory_space<hbm>>) dst(%arg6 : memref<128x128xf32, #tpu.memory_space<vmem>>)
    %add3A_207 = arith.constant 1536 : i32
    %add3A_208 = arith.addi %mul3A_2, %add3A_207 : i32
    "tpu.region"() ({
      %run_scoped3A = tpu.sem_alloc : memref<!tpu.dma_semaphore, #tpu.memory_space<semaphore_mem>>
      %dma_start3A_257 = arith.constant 0 : i32
      %dma_start3A_258 = tpu.memref_slice %arg4[%add3A_208, %dma_start3A_257] : memref<65536x128xf32, #tpu.memory_space<hbm>> -> memref<128x128xf32, #tpu.memory_space<hbm>>
      %dma_start3A_259 = arith.constant 0 : i32
      %dma_start3A_260 = tpu.memref_slice %arg4[%add3A_208, %dma_start3A_259] : memref<65536x128xf32, #tpu.memory_space<hbm>> -> memref<128x128xf32, #tpu.memory_space<hbm>>
      tpu.enqueue_dma source(%arg6 : memref<128x128xf32, #tpu.memory_space<vmem>>) target(%dma_start3A_260 : memref<128x128xf32, #tpu.memory_space<hbm>>) target_semaphore(%run_scoped3A : memref<!tpu.dma_semaphore, #tpu.memory_space<semaphore_mem>>)
      %dma_wait3A_261 = arith.constant 0 : i32
      %dma_wait3A_262 = tpu.memref_slice %arg4[%add3A_208, %dma_wait3A_261] : memref<65536x128xf32, #tpu.memory_space<hbm>> -> memref<128x128xf32, #tpu.memory_space<hbm>>
      %dma_wait3A_263 = arith.constant 0 : i32
      %dma_wait3A_264 = tpu.memref_slice %arg4[%add3A_208, %dma_wait3A_263] : memref<65536x128xf32, #tpu.memory_space<hbm>> -> memref<128x128xf32, #tpu.memory_space<hbm>>
      tpu.wait_dma2 semaphore(%run_scoped3A : memref<!tpu.dma_semaphore, #tpu.memory_space<semaphore_mem>>) src(%arg6 : memref<128x128xf32, #tpu.memory_space<vmem>>) dst(%dma_wait3A_264 : memref<128x128xf32, #tpu.memory_space<hbm>>)
      tpu.yield
    }) : () -> ()
    %dma_start3A_209 = arith.constant 13 : i32
    %dma_start3A_210 = arith.constant 0 : i32
    %dma_start3A_211 = tpu.memref_slice %arg5[%dma_start3A_209, %dma_start3A_210] : memref<16x128xi32, #tpu.memory_space<vmem>> -> memref<1x128xi32, #tpu.memory_space<vmem>>
    %dma_start3A_212 = tpu.memref_squeeze %dma_start3A_211 : memref<1x128xi32, #tpu.memory_space<vmem>> -> memref<128xi32, #tpu.memory_space<vmem>>
    %dma_start3A_213 = arith.constant 0 : i32
    %dma_start3A_214 = arith.constant 0 : i32
    %dma_start3A_215 = tpu.memref_slice %arg2[%dma_start3A_213, %dma_start3A_214] : memref<8192x128xf32, #tpu.memory_space<hbm>> -> memref<8192x128xf32, #tpu.memory_space<hbm>>
    tpu.enqueue_indirect_dma source(%dma_start3A_215 : memref<8192x128xf32, #tpu.memory_space<hbm>>) target(%arg6 : memref<128x128xf32, #tpu.memory_space<vmem>>) offsets(%dma_start3A_212 : memref<128xi32, #tpu.memory_space<vmem>>) semaphore(%arg7 : memref<!tpu.dma_semaphore, #tpu.memory_space<semaphore_mem>>)
    %dma_wait3A_216 = arith.constant 13 : i32
    %dma_wait3A_217 = arith.constant 0 : i32
    %dma_wait3A_218 = tpu.memref_slice %arg5[%dma_wait3A_216, %dma_wait3A_217] : memref<16x128xi32, #tpu.memory_space<vmem>> -> memref<1x128xi32, #tpu.memory_space<vmem>>
    %dma_wait3A_219 = tpu.memref_squeeze %dma_wait3A_218 : memref<1x128xi32, #tpu.memory_space<vmem>> -> memref<128xi32, #tpu.memory_space<vmem>>
    %dma_wait3A_220 = arith.constant 0 : i32
    %dma_wait3A_221 = arith.constant 0 : i32
    %dma_wait3A_222 = tpu.memref_slice %arg2[%dma_wait3A_220, %dma_wait3A_221] : memref<8192x128xf32, #tpu.memory_space<hbm>> -> memref<8192x128xf32, #tpu.memory_space<hbm>>
    tpu.wait_indirect_dma semaphore(%arg7 : memref<!tpu.dma_semaphore, #tpu.memory_space<semaphore_mem>>) src(%dma_wait3A_222 : memref<8192x128xf32, #tpu.memory_space<hbm>>) dst(%arg6 : memref<128x128xf32, #tpu.memory_space<vmem>>)
    %add3A_223 = arith.constant 1664 : i32
    %add3A_224 = arith.addi %mul3A_2, %add3A_223 : i32
    "tpu.region"() ({
      %run_scoped3A = tpu.sem_alloc : memref<!tpu.dma_semaphore, #tpu.memory_space<semaphore_mem>>
      %dma_start3A_257 = arith.constant 0 : i32
      %dma_start3A_258 = tpu.memref_slice %arg4[%add3A_224, %dma_start3A_257] : memref<65536x128xf32, #tpu.memory_space<hbm>> -> memref<128x128xf32, #tpu.memory_space<hbm>>
      %dma_start3A_259 = arith.constant 0 : i32
      %dma_start3A_260 = tpu.memref_slice %arg4[%add3A_224, %dma_start3A_259] : memref<65536x128xf32, #tpu.memory_space<hbm>> -> memref<128x128xf32, #tpu.memory_space<hbm>>
      tpu.enqueue_dma source(%arg6 : memref<128x128xf32, #tpu.memory_space<vmem>>) target(%dma_start3A_260 : memref<128x128xf32, #tpu.memory_space<hbm>>) target_semaphore(%run_scoped3A : memref<!tpu.dma_semaphore, #tpu.memory_space<semaphore_mem>>)
      %dma_wait3A_261 = arith.constant 0 : i32
      %dma_wait3A_262 = tpu.memref_slice %arg4[%add3A_224, %dma_wait3A_261] : memref<65536x128xf32, #tpu.memory_space<hbm>> -> memref<128x128xf32, #tpu.memory_space<hbm>>
      %dma_wait3A_263 = arith.constant 0 : i32
      %dma_wait3A_264 = tpu.memref_slice %arg4[%add3A_224, %dma_wait3A_263] : memref<65536x128xf32, #tpu.memory_space<hbm>> -> memref<128x128xf32, #tpu.memory_space<hbm>>
      tpu.wait_dma2 semaphore(%run_scoped3A : memref<!tpu.dma_semaphore, #tpu.memory_space<semaphore_mem>>) src(%arg6 : memref<128x128xf32, #tpu.memory_space<vmem>>) dst(%dma_wait3A_264 : memref<128x128xf32, #tpu.memory_space<hbm>>)
      tpu.yield
    }) : () -> ()
    %dma_start3A_225 = arith.constant 14 : i32
    %dma_start3A_226 = arith.constant 0 : i32
    %dma_start3A_227 = tpu.memref_slice %arg5[%dma_start3A_225, %dma_start3A_226] : memref<16x128xi32, #tpu.memory_space<vmem>> -> memref<1x128xi32, #tpu.memory_space<vmem>>
    %dma_start3A_228 = tpu.memref_squeeze %dma_start3A_227 : memref<1x128xi32, #tpu.memory_space<vmem>> -> memref<128xi32, #tpu.memory_space<vmem>>
    %dma_start3A_229 = arith.constant 0 : i32
    %dma_start3A_230 = arith.constant 0 : i32
    %dma_start3A_231 = tpu.memref_slice %arg2[%dma_start3A_229, %dma_start3A_230] : memref<8192x128xf32, #tpu.memory_space<hbm>> -> memref<8192x128xf32, #tpu.memory_space<hbm>>
    tpu.enqueue_indirect_dma source(%dma_start3A_231 : memref<8192x128xf32, #tpu.memory_space<hbm>>) target(%arg6 : memref<128x128xf32, #tpu.memory_space<vmem>>) offsets(%dma_start3A_228 : memref<128xi32, #tpu.memory_space<vmem>>) semaphore(%arg7 : memref<!tpu.dma_semaphore, #tpu.memory_space<semaphore_mem>>)
    %dma_wait3A_232 = arith.constant 14 : i32
    %dma_wait3A_233 = arith.constant 0 : i32
    %dma_wait3A_234 = tpu.memref_slice %arg5[%dma_wait3A_232, %dma_wait3A_233] : memref<16x128xi32, #tpu.memory_space<vmem>> -> memref<1x128xi32, #tpu.memory_space<vmem>>
    %dma_wait3A_235 = tpu.memref_squeeze %dma_wait3A_234 : memref<1x128xi32, #tpu.memory_space<vmem>> -> memref<128xi32, #tpu.memory_space<vmem>>
    %dma_wait3A_236 = arith.constant 0 : i32
    %dma_wait3A_237 = arith.constant 0 : i32
    %dma_wait3A_238 = tpu.memref_slice %arg2[%dma_wait3A_236, %dma_wait3A_237] : memref<8192x128xf32, #tpu.memory_space<hbm>> -> memref<8192x128xf32, #tpu.memory_space<hbm>>
    tpu.wait_indirect_dma semaphore(%arg7 : memref<!tpu.dma_semaphore, #tpu.memory_space<semaphore_mem>>) src(%dma_wait3A_238 : memref<8192x128xf32, #tpu.memory_space<hbm>>) dst(%arg6 : memref<128x128xf32, #tpu.memory_space<vmem>>)
    %add3A_239 = arith.constant 1792 : i32
    %add3A_240 = arith.addi %mul3A_2, %add3A_239 : i32
    "tpu.region"() ({
      %run_scoped3A = tpu.sem_alloc : memref<!tpu.dma_semaphore, #tpu.memory_space<semaphore_mem>>
      %dma_start3A_257 = arith.constant 0 : i32
      %dma_start3A_258 = tpu.memref_slice %arg4[%add3A_240, %dma_start3A_257] : memref<65536x128xf32, #tpu.memory_space<hbm>> -> memref<128x128xf32, #tpu.memory_space<hbm>>
      %dma_start3A_259 = arith.constant 0 : i32
      %dma_start3A_260 = tpu.memref_slice %arg4[%add3A_240, %dma_start3A_259] : memref<65536x128xf32, #tpu.memory_space<hbm>> -> memref<128x128xf32, #tpu.memory_space<hbm>>
      tpu.enqueue_dma source(%arg6 : memref<128x128xf32, #tpu.memory_space<vmem>>) target(%dma_start3A_260 : memref<128x128xf32, #tpu.memory_space<hbm>>) target_semaphore(%run_scoped3A : memref<!tpu.dma_semaphore, #tpu.memory_space<semaphore_mem>>)
      %dma_wait3A_261 = arith.constant 0 : i32
      %dma_wait3A_262 = tpu.memref_slice %arg4[%add3A_240, %dma_wait3A_261] : memref<65536x128xf32, #tpu.memory_space<hbm>> -> memref<128x128xf32, #tpu.memory_space<hbm>>
      %dma_wait3A_263 = arith.constant 0 : i32
      %dma_wait3A_264 = tpu.memref_slice %arg4[%add3A_240, %dma_wait3A_263] : memref<65536x128xf32, #tpu.memory_space<hbm>> -> memref<128x128xf32, #tpu.memory_space<hbm>>
      tpu.wait_dma2 semaphore(%run_scoped3A : memref<!tpu.dma_semaphore, #tpu.memory_space<semaphore_mem>>) src(%arg6 : memref<128x128xf32, #tpu.memory_space<vmem>>) dst(%dma_wait3A_264 : memref<128x128xf32, #tpu.memory_space<hbm>>)
      tpu.yield
    }) : () -> ()
    %dma_start3A_241 = arith.constant 15 : i32
    %dma_start3A_242 = arith.constant 0 : i32
    %dma_start3A_243 = tpu.memref_slice %arg5[%dma_start3A_241, %dma_start3A_242] : memref<16x128xi32, #tpu.memory_space<vmem>> -> memref<1x128xi32, #tpu.memory_space<vmem>>
    %dma_start3A_244 = tpu.memref_squeeze %dma_start3A_243 : memref<1x128xi32, #tpu.memory_space<vmem>> -> memref<128xi32, #tpu.memory_space<vmem>>
    %dma_start3A_245 = arith.constant 0 : i32
    %dma_start3A_246 = arith.constant 0 : i32
    %dma_start3A_247 = tpu.memref_slice %arg2[%dma_start3A_245, %dma_start3A_246] : memref<8192x128xf32, #tpu.memory_space<hbm>> -> memref<8192x128xf32, #tpu.memory_space<hbm>>
    tpu.enqueue_indirect_dma source(%dma_start3A_247 : memref<8192x128xf32, #tpu.memory_space<hbm>>) target(%arg6 : memref<128x128xf32, #tpu.memory_space<vmem>>) offsets(%dma_start3A_244 : memref<128xi32, #tpu.memory_space<vmem>>) semaphore(%arg7 : memref<!tpu.dma_semaphore, #tpu.memory_space<semaphore_mem>>)
    %dma_wait3A_248 = arith.constant 15 : i32
    %dma_wait3A_249 = arith.constant 0 : i32
    %dma_wait3A_250 = tpu.memref_slice %arg5[%dma_wait3A_248, %dma_wait3A_249] : memref<16x128xi32, #tpu.memory_space<vmem>> -> memref<1x128xi32, #tpu.memory_space<vmem>>
    %dma_wait3A_251 = tpu.memref_squeeze %dma_wait3A_250 : memref<1x128xi32, #tpu.memory_space<vmem>> -> memref<128xi32, #tpu.memory_space<vmem>>
    %dma_wait3A_252 = arith.constant 0 : i32
    %dma_wait3A_253 = arith.constant 0 : i32
    %dma_wait3A_254 = tpu.memref_slice %arg2[%dma_wait3A_252, %dma_wait3A_253] : memref<8192x128xf32, #tpu.memory_space<hbm>> -> memref<8192x128xf32, #tpu.memory_space<hbm>>
    tpu.wait_indirect_dma semaphore(%arg7 : memref<!tpu.dma_semaphore, #tpu.memory_space<semaphore_mem>>) src(%dma_wait3A_254 : memref<8192x128xf32, #tpu.memory_space<hbm>>) dst(%arg6 : memref<128x128xf32, #tpu.memory_space<vmem>>)
    %add3A_255 = arith.constant 1920 : i32
    %add3A_256 = arith.addi %mul3A_2, %add3A_255 : i32
    "tpu.region"() ({
      %run_scoped3A = tpu.sem_alloc : memref<!tpu.dma_semaphore, #tpu.memory_space<semaphore_mem>>
      %dma_start3A_257 = arith.constant 0 : i32
      %dma_start3A_258 = tpu.memref_slice %arg4[%add3A_256, %dma_start3A_257] : memref<65536x128xf32, #tpu.memory_space<hbm>> -> memref<128x128xf32, #tpu.memory_space<hbm>>
      %dma_start3A_259 = arith.constant 0 : i32
      %dma_start3A_260 = tpu.memref_slice %arg4[%add3A_256, %dma_start3A_259] : memref<65536x128xf32, #tpu.memory_space<hbm>> -> memref<128x128xf32, #tpu.memory_space<hbm>>
      tpu.enqueue_dma source(%arg6 : memref<128x128xf32, #tpu.memory_space<vmem>>) target(%dma_start3A_260 : memref<128x128xf32, #tpu.memory_space<hbm>>) target_semaphore(%run_scoped3A : memref<!tpu.dma_semaphore, #tpu.memory_space<semaphore_mem>>)
      %dma_wait3A_261 = arith.constant 0 : i32
      %dma_wait3A_262 = tpu.memref_slice %arg4[%add3A_256, %dma_wait3A_261] : memref<65536x128xf32, #tpu.memory_space<hbm>> -> memref<128x128xf32, #tpu.memory_space<hbm>>
      %dma_wait3A_263 = arith.constant 0 : i32
      %dma_wait3A_264 = tpu.memref_slice %arg4[%add3A_256, %dma_wait3A_263] : memref<65536x128xf32, #tpu.memory_space<hbm>> -> memref<128x128xf32, #tpu.memory_space<hbm>>
      tpu.wait_dma2 semaphore(%run_scoped3A : memref<!tpu.dma_semaphore, #tpu.memory_space<semaphore_mem>>) src(%arg6 : memref<128x128xf32, #tpu.memory_space<vmem>>) dst(%dma_wait3A_264 : memref<128x128xf32, #tpu.memory_space<hbm>>)
      tpu.yield
    }) : () -> ()
    return
  }
}

module attributes {stable_mosaic.version = 14 : i64} {
  func.func @_tc_body(%arg0: i32, %arg1: memref<512x32xf32, #tpu.memory_space<vmem>>, %arg2: memref<32x8192xf32, #tpu.memory_space<vmem>>, %arg3: memref<512x1xi32, #tpu.memory_space<vmem>>) attributes {dimension_semantics = [#tpu.dimension_semantics<arbitrary>], iteration_bounds = array<i64: 128>, scalar_prefetch = 0 : i64, scratch_operands = 0 : i64, tpu.core_type = #tpu.core_type<tc>, window_params = [{transform_indices = @transform_0, window_bounds = array<i64: 512, 32>}, {pipeline_mode = #tpu.pipeline_mode<synchronous>, transform_indices = @transform_1, window_bounds = array<i64: 32, 8192>}, {transform_indices = @transform_2, window_bounds = array<i64: 512, 1>}]} {
    %get3A = arith.constant 0 : index
    %get3A_0 = arith.constant 0 : index
    %get3A_1 = vector.load %arg2[%get3A, %get3A_0] : memref<32x8192xf32, #tpu.memory_space<vmem>>, vector<32x8192xf32>
    %mul3A = arith.mulf %get3A_1, %get3A_1 : vector<32x8192xf32>
    %reduce_sum3A = arith.constant dense<0.000000e+00> : vector<8192xf32>
    %reduce_sum3A_2 = vector.multi_reduction <add>, %mul3A, %reduce_sum3A [0] : vector<32x8192xf32> to vector<8192xf32>
    %broadcast_in_dim3A = vector.shape_cast %reduce_sum3A_2 : vector<8192xf32> to vector<1x8192xf32>
    %get3A_3 = arith.constant 0 : index
    %get3A_4 = arith.constant 0 : index
    %get3A_5 = vector.load %arg1[%get3A_3, %get3A_4] : memref<512x32xf32, #tpu.memory_space<vmem>>, vector<512x32xf32>
    %dot_general3A = arith.constant dense<0.000000e+00> : vector<512x8192xf32>
    %dot_general3A_6 = tpu.matmul %get3A_5, %get3A_1, %dot_general3A {dimension_numbers = #tpu.dot_dimension_numbers<[1], [0], [0], [1], [0, 0, 1, 1], [], []>, transpose_lhs_hint = false} : vector<512x32xf32>, vector<32x8192xf32>, vector<512x8192xf32> -> vector<512x8192xf32>
    %add3A = arith.addf %dot_general3A_6, %dot_general3A_6 : vector<512x8192xf32>
    %sub3A = vector.broadcast %broadcast_in_dim3A : vector<1x8192xf32> to vector<512x8192xf32>
    %sub3A_7 = arith.subf %sub3A, %add3A : vector<512x8192xf32>
    %reduce_min3A = arith.constant dense<0x7F800000> : vector<512xf32>
    %reduce_min3A_8 = vector.multi_reduction <minimumf>, %sub3A_7, %reduce_min3A [1] : vector<512x8192xf32> to vector<512xf32>
    %broadcast_in_dim3A_9 = vector.shape_cast %reduce_min3A_8 : vector<512xf32> to vector<512x1xf32>
    %iota3A = tpu.iota {dimensions = array<i32: 1>} : vector<512x8192xi32>
    %eq3A = vector.broadcast %broadcast_in_dim3A_9 : vector<512x1xf32> to vector<512x8192xf32>
    %eq3A_10 = arith.cmpf oeq, %sub3A_7, %eq3A : vector<512x8192xf32>
    %jit3A = arith.constant 1073741824 : i32
    %broadcast_in_dim3A_11 = vector.broadcast %jit3A : i32 to vector<512x8192xi32>
    %select_n3A = arith.select %eq3A_10, %iota3A, %broadcast_in_dim3A_11 : vector<512x8192xi1>, vector<512x8192xi32>
    %reduce_min3A_12 = arith.constant dense<2147483647> : vector<512xi32>
    %reduce_min3A_13 = vector.multi_reduction <minsi>, %select_n3A, %reduce_min3A_12 [1] : vector<512x8192xi32> to vector<512xi32>
    %reshape3A = vector.shape_cast %reduce_min3A_13 : vector<512xi32> to vector<512x1xi32>
    %swap3A = arith.constant 0 : index
    %swap3A_14 = arith.constant 0 : index
    %swap3A_15 = vector.load %arg3[%swap3A, %swap3A_14] : memref<512x1xi32, #tpu.memory_space<vmem>>, vector<512x1xi32>
    tpu.vector_store %arg3[%swap3A, %swap3A_14], %reshape3A {strides = array<i32>} : memref<512x1xi32, #tpu.memory_space<vmem>>, vector<512x1xi32>,
    return
  }
  func.func @transform_0(%arg0: i32) -> (i32, i32) {
    %c0_i32 = arith.constant 0 : i32
    %c0_i32_0 = arith.constant 0 : i32
    return %arg0, %c0_i32 : i32, i32
  }
  func.func @transform_1(%arg0: i32) -> (i32, i32) {
    %c0_i32 = arith.constant 0 : i32
    %c0_i32_0 = arith.constant 0 : i32
    %c0_i32_1 = arith.constant 0 : i32
    return %c0_i32, %c0_i32_0 : i32, i32
  }
  func.func @transform_2(%arg0: i32) -> (i32, i32) {
    %c0_i32 = arith.constant 0 : i32
    %c0_i32_0 = arith.constant 0 : i32
    return %arg0, %c0_i32 : i32, i32
  }
}

</mosaic_0001>

<sc_bundles>
// kernel: kernel.4.cloned.1.call-start
scs
__scs_entry_jumppad:
0x0: {  	(pc) =	sbr.rel $0x88, $3  }
0x1: {  	(tag) =	ssettag $0x0;
	lr =	simm.s32 $0x1  }
0x2: {  	[smem:$0x3F9F] =	sst lr;
	_ =	strace $0xD0000000  }
0x3: {  	_ = 	snop  }
0x4: {  	_ = 	snop  }
0x5: {  	_ = 	snop  }
0x6: {  	_ = 	snop  }
0x7: {  	_ = 	snop  }
__scs_overlays_trampoline_lowered:
0x8: {  	[smem:$0x3FAE] =	sst s0  }
0x9: {  	[smem:$0x3FAF] =	sst s1  }
0xa: {  	[smem:$0x3FB0] =	sst s2  }
0xb: {  	[smem:$0x3FB1] =	sst s3  }
0xc: {  	[smem:$0x3FB2] =	sst s4  }
0xd: {  	[smem:$0x3FB3] =	sst s5  }
0xe: {  	[smem:$0x3FB4] =	sst s6  }
0xf: {  	[smem:$0x3FB5] =	sst s7  }
0x10: {  	[smem:$0x3FB6] =	sst s8  }
0x11: {  	[smem:$0x3FB7] =	sst s9;
	s0 =	simm.s32 @!p0 $0x0  }
0x12: {  	s1 =	sld [smem:$0x3F9D];
	s0 =	simm.s32 @p0 $0x1  }
0x13: {  	[smem:$0x3FB8] =	sst s0;
	s0 =	simm.s32 @!p1 $0x0  }
0x14: {  	s2 =	sld [smem:$0x3F9C];
	s0 =	simm.s32 @p1 $0x1  }
0x15: {  	[smem:$0x3FB9] =	sst s0;
	s0 =	simm.s32 @!p2 $0x0  }
0x16: {  	s3 =	sld [smem:$0x3FDB];
	s0 =	simm.s32 @p2 $0x1  }
0x17: {  	s4 =	simm.s32 $0x1BF5;
	[smem:$0x3FBB] =	sst s0  }
0x18: {  	s0 =	sld [smem:$0x3F9E];
	_ =	swait.ge [sflag:s4], $0x0  }
0x19: {  	s7 =	sld [smem:$0x3F9F]  }
0x1a: {  	s8 =	sadd.s32 $0xFFFFE003, lr  }
0x1b: {  	s9 =	sadd.s32 $0xFFFFFEF7, lr;
	s5 =	simm.s32 $0xFFFFFFFF;
	p2 =	slt.u32 s8, $0xFFFFF086  }
0x1c: {  	p1 =	slt.u32 s9, $0xF7A;
	s5 =	simm.s32 @!p2 $0x0  }
0x1d: {  	s5 =	simm.s32 @p1 $0x1;
	p0 =	seq.s32 s7, s2  }
0x1e: {  	s7 =	smul.u32 @!p0 $0xF7A, s2;
	p2 =	seq.s32 @!p0 s5, $0x0  }
0x1f: {  	s9 =	smul.u32 $0xF7A, s1;
	s8 =	simm.s32 @!p0 $0x1BF5;
	p2 =	por !p2, p0  }
0x20: {  	[sflag:s8] =	ssyncset.s32 @!p0 $0xFFFFF086;
	s6 =	sadd.s32 @!p0 s3, s7;
	s7 =	simm.s32 @!p0 $0x108  }
0x21: {  	s3 =	sadd.s32 s3, s9;
	s6 =	sadd.s32 @!p0 $0x88, s6;
	s7 =	simm.s32 @p2 $0x1082  }
0x22: {  	[simem:s7], [sflag:s8] =	dma.local @!p0 [hbm:s6], $0xF7A  }
0x23: {  	s9 =	sor.u32 $0xD0000000, s2;
	s6 =	simm.s32 $0x108;
	_ =	swait.ge @!p0 [sflag:s8], $0x0  }
0x24: {  	s3 =	sadd.s32 $0x88, s3;
	s6 =	simm.s32 @!p1 $0x1082;
	[sflag:s4] =	ssyncset.s32 $0xFFFFF086  }
0x25: {  	[simem:s6], [sflag:s4] =	dma.local [hbm:s3], $0xF7A  }
0x26: {  	[smem:$0x3F9F] =	sst s1;
	(tag) =	ssettag s2;
	_ =	strace s9  }
0x27: {  	s1 =	sld [smem:$0x3FAF]  }
0x28: {  	s2 =	sld [smem:$0x3FB0]  }
0x29: {  	s4 =	sld [smem:$0x3FB2]  }
0x2a: {  	p0 =	seq.s32 s5, $0x0;
	s5 =	sld [smem:$0x3FB3]  }
0x2b: {  	s6 =	sld [smem:$0x3FB4]  }
0x2c: {  	s7 =	sld [smem:$0x3FB5]  }
0x2d: {  	s3 =	simm.s32 $0x108;
	s8 =	sld [smem:$0x3FB6]  }
0x2e: {  	s3 =	simm.s32 @!p0 $0x1082;
	s9 =	sld [smem:$0x3FB7]  }
0x2f: {  	lr =	sadd.s32 s0, s3;
	s0 =	sld [smem:$0x3FAE]  }
0x30: {  	s3 =	sld [smem:$0x3FB1]  }
0x31: {  	[smem:$0x3FBA] =	sst s10  }
0x32: {  	s10 =	sld [smem:$0x3FB8];
	_ =	sdelay $0x3  }
0x33: {  	p0 =	seq.s32 s10, $0x1;
	s10 =	sld [smem:$0x3FBA];
	_ =	sdelay $0x3  }
0x34: {  	[smem:$0x3FBA] =	sst s10  }
0x35: {  	s10 =	sld [smem:$0x3FB9];
	_ =	sdelay $0x3  }
0x36: {  	p1 =	seq.s32 s10, $0x1;
	s10 =	sld [smem:$0x3FBA];
	_ =	sdelay $0x3  }
0x37: {  	[smem:$0x3FBA] =	sst s10  }
0x38: {  	s10 =	sld [smem:$0x3FBB]  }
0x39: {  	_ = 	snop;
	(pc) =	sbr.ind lr, $3  }
0x3a: {  	_ = 	snop  }
0x3b: {  	_ = 	snop  }
0x3c: {  	p2 =	seq.s32 s10, $0x1;
	s10 =	sld [smem:$0x3FBA]  }
0x3d: {  	_ =	shalt  }
0x3e: {  	_ =	shalt  }
0x3f: {  	_ =	shalt  }
0x40: {  	_ =	shalt  }
0x41: {  	_ =	shalt  }
0x42: {  	_ =	shalt  }
0x43: {  	_ =	shalt  }
0x44: {  	_ =	shalt  }
0x45: {  	_ =	shalt  }
0x46: {  	_ =	shalt  }
0x47: {  	_ =	shalt  }
0x48: {  	_ =	shalt  }
0x49: {  	_ =	shalt  }
0x4a: {  	_ =	shalt  }
0x4b: {  	_ =	shalt  }
0x4c: {  	_ =	shalt  }
0x4d: {  	_ =	shalt  }
0x4e: {  	_ =	shalt  }
0x4f: {  	_ =	shalt  }
0x50: {  	_ =	shalt  }
0x51: {  	_ =	shalt  }
0x52: {  	_ =	shalt  }
0x53: {  	_ =	shalt  }
0x54: {  	_ =	shalt  }
0x55: {  	_ =	shalt  }
0x56: {  	_ =	shalt  }
0x57: {  	_ =	shalt  }
0x58: {  	_ =	shalt  }
0x59: {  	_ =	shalt  }
0x5a: {  	_ =	shalt  }
0x5b: {  	_ =	shalt  }
0x5c: {  	_ =	shalt  }
0x5d: {  	_ =	shalt  }
0x5e: {  	_ =	shalt  }
0x5f: {  	_ =	shalt  }
0x60: {  	_ =	shalt  }
0x61: {  	_ =	shalt  }
0x62: {  	_ =	shalt  }
0x63: {  	_ =	shalt  }
0x64: {  	_ =	shalt  }
0x65: {  	_ =	shalt  }
0x66: {  	_ =	shalt  }
0x67: {  	_ =	shalt  }
0x68: {  	_ =	shalt  }
0x69: {  	_ =	shalt  }
0x6a: {  	_ =	shalt  }
0x6b: {  	_ =	shalt  }
0x6c: {  	_ =	shalt  }
0x6d: {  	_ =	shalt  }
0x6e: {  	_ =	shalt  }
0x6f: {  	_ =	shalt  }
0x70: {  	_ =	shalt  }
0x71: {  	_ =	shalt  }
0x72: {  	_ =	shalt  }
0x73: {  	_ =	shalt  }
0x74: {  	_ =	shalt  }
0x75: {  	_ =	shalt  }
0x76: {  	_ =	shalt  }
0x77: {  	_ =	shalt  }
0x78: {  	_ =	shalt  }
0x79: {  	_ =	shalt  }
0x7a: {  	_ =	shalt  }
0x7b: {  	_ =	shalt  }
0x7c: {  	_ =	shalt  }
0x7d: {  	_ =	shalt  }
0x7e: {  	_ =	shalt  }
0x7f: {  	_ =	shalt  }
0x80: {  	_ =	shalt  }
0x81: {  	_ =	shalt  }
0x82: {  	_ =	shalt  }
0x83: {  	_ =	shalt  }
0x84: {  	_ =	shalt  }
0x85: {  	_ =	shalt  }
0x86: {  	_ =	shalt  }
0x87: {  	_ =	shalt  }
.Lfunc_end0:
.L_simem_size_0:
called_computation_lowered:
.L_overlay_start_0:
0x88: {  	s2 =	sld [smem:$0x3FD9]  }
0x89: {  	s3 =	sld [smem:$0x3FFE];
	_ =	sdelay $0x1  }
0x8a: {  	s1 =	srdreg.scid  }
0x8b: {  	s0 =	sand.u32 $0x1, s1  }
0x8c: {  	s14 =	sshll.u32 s0, $0xA;
	s2 =	sadd.s32 s3, s2  }
0x8d: {  	s2 =	sadd.s32 s2, s14  }
0x8e: {  	[smem:$0x3FC6] =	sst s2  }
0x8f: {  	_ = 	snop  }
0x90: {  	s2 =	sld [smem:$0x3FD0];
	_ =	sdelay $0x2  }
0x91: {  	s15 =	simm.s32 $0xA;
	s4 =	simm.s32 $0x10  }
0x92: {  	[smem:s4], [sflag:s15] =	dma.local [hbm:s2], $0x1  }
0x93: {  	_ =	swait.eq [sflag:s15], $0x1  }
0x94: {  	[sflag:s15] =	ssyncset.done $0x0  }
0x95: {  	s16 =	sld [smem:$0x10];
	[sflag:s15] =	ssyncadd.s32 $0xFFFFFFFF  }
0x96: {  	s17 =	sld [smem:$0x11];
	(tm) =	ssettm $0x1  }
0x97: {  	s18 =	sld [smem:$0x3FFB];
	_ =	sdelay $0x3  }
0x98: {  	_ =	strace s18  }
0x99: {  	s4 =	sld [smem:$0x3FFC];
	_ =	sdelay $0x3  }
0x9a: {  	_ =	strace s4  }
0x9b: {  	s4 =	sld [smem:$0x3FFD];
	_ =	sdelay $0x3  }
0x9c: {  	_ =	strace s4  }
0x9d: {  	_ =	strace $0x8FFFFFFF  }
0x9e: {  	s19 =	sld [smem:$0x3FDB];
	_ =	sdelay $0x1  }
0x9f: {  	s5 =	simm.s32 $_scs_section_size  }
0xa0: {  	s6 =	simm.s32 $_size__tile_overlayer_lowered;
	s7 =	simm.s32 $_tile_overlayer_lowered  }
0xa1: {  	s22 =	simm.s32 $0x1BFF;
	s21 =	sshll.u32 s7, $0x1;
	s4 =	sadd.s32 s5, s19  }
0xa2: {  	s8 =	simm.s32 $0x0;
	s20 =	sshll.u32 s6, $0x1;
	s6 =	sadd.s32 s21, s4  }
0xa3: {  	[timem:s8], [sflag:s22] =	dma.local [hbm:s6], s20  }
0xa4: {  	_ =	swait.ge [sflag:s22], s20  }
0xa5: {  	s5 =	ssub.s32 $0x0, s20;
	[sflag:s22] =	ssyncset.done $0x0  }
0xa6: {  	[sflag:s22] =	ssyncadd.s32 s5;
	_ =	sdelay $0x1  }
0xa7: {  	s23 =	simm.s32 $0x1B8B  }
0xa8: {  	_ =	swait.ge [sflag:s23], $0x1  }
0xa9: {  	[sflag:s23] =	ssyncset.done $0x0  }
0xaa: {  	s25 =	simm.s32 $0x1B8E;
	s24 =	sld [smem:$0x3FFE];
	[sflag:s23] =	ssyncadd.s32 $0xFFFFFFFF  }
0xab: {  	s26 =	simm.s32 $execute0_lowered;
	[smem:$0x3FD2] =	sst s25  }
0xac: {  	s6 =	sshll.u32 s26, $0x1;
	_ =	strace $0x80000046;
	[dreg:$0x1] =	wrdreg $0xFFFFFFFF  }
0xad: {  	s28 =	simm.s32 $_size_execute0_lowered;
	s4 =	sadd.s32 s4, s6;
	[dreg:$0x0] =	wrdreg $0x0  }
0xae: {  	s6 =	sshll.u32 s28, $0x1;
	[dreg:$0x2] =	wrdreg s4  }
0xaf: {  	[dreg:$0x3] =	wrdreg s6  }
0xb0: {  	[dreg:$0x4] =	wrdreg $0xC0  }
0xb1: {  	_ =	task [dreg:s8], $0x5FFFF  }
0xb2: {  	[dreg:$0x1] =	wrdreg $0xFFFFFFFF  }
0xb3: {  	[dreg:$0x0] =	wrdreg $0x60  }
0xb4: {  	[dreg:$0x2] =	wrdreg s16  }
0xb5: {  	[dreg:$0x3] =	wrdreg s17  }
0xb6: {  	[dreg:$0x4] =	wrdreg s24  }
0xb7: {  	[dreg:$0x5] =	wrdreg $0x9  }
0xb8: {  	_ =	task.clear_ibuf [dreg:s8], $0x6FFFF;
	_ =	strace $0x90000046  }
0xb9: {  	s29 =	simm.s32 $0x9;
	_ =	strace $0x80000048  }
0xba: {  	_ =	swait.ge [sflag:s29], $0x1  }
0xbb: {  	[sflag:s29] =	ssyncadd.s32 $0xFFFFFFFF  }
0xbc: {  	_ =	strace $0x90000048  }
0xbd: {  	_ =	sfence  }
0xbe: {  	s30 =	sld [smem:$0x0];
	_ =	sdelay $0x2  }
0xbf: {  	s31 =	sshll.u32 s1, $0xD;
	s1 =	sshrl.u32 s1, $0x2  }
0xc0: {  	s3 =	sand.u32 $0x4000, s31;
	s1 =	sadd.s32 s1, s30  }
0xc1: {  	s0 =	sor.u32 s3, s0;
	s1 =	sshll.u32 s1, $0x11  }
0xc2: {  	s0 =	sor.u32 s1, s0  }
0xc3: {  	s0 =	sadd.s32 $0x8F2B, s0  }
0xc4: {  	[sflag:s0] =	ssyncadd.remote.s32 $0x1  }
0xc5: {  	_ =	sfence.sel $0xFFFF  }
0xc6: {  	[dreg:$0x0] =	wrdreg $0xFFFFFFFF;
	(pc) =	sbr.abs _section_cstart, $3  }
0xc7: {  	[dreg:$0x1] =	wrdreg $0xFFFFFFFF  }
0xc8: {  	_ =	task.clear_ibuf [dreg:s8], $0x2FFFF;
	_ =	strace $0x9FFFFFFF  }
0xc9: {  	(tm) =	ssettm $0x7FFFFFFF  }
tec
execute0_lowered:
.L_overlay_start_1:
0x0: {  	(tag) =	ssettag $0x1  }
0x1: {  	s1 =	srdreg.scid  }
0x2: {  	s2 =	rddreg [dreg:$0x0];
	s0 =	stileid.u32;
	s1 =	sand.u32 $0x1, s1  }
0x3: {  	s4 =	rddreg [dreg:$0x1];
	s6 =	sshll.u32 s0, $0xC;
	s7 =	sshll.u32 s1, $0xB  }
0x4: {  	s5 =	rddreg [dreg:$0x2];
	s6 =	sor.u32 s7, s6  }
0x5: {  	s3 =	simm.s32 $0x0;
	s7 =	sshll.u32 s6, $0x4;
	s6 =	sshrl.u32 s6, $0x3  }
0x6: {  	[smem:$0x7FF] =	sst s3;
	s31 =	sadd.s32 s7, s5;
	s4 =	sadd.s32 s4, s6  }
0x7: {  	_ =	strace $0x80000047;
	[dreg:$0x4] =	wrdreg s4;
	s18 =	sadd.s32 $0x200, s31  }
0x8: {  	s19 =	sadd.s32 $0xA00, s31;
	[dreg:$0x5] =	wrdreg s18  }
0x9: {  	s20 =	sadd.s32 $0x1200, s31;
	[dreg:$0x6] =	wrdreg s19  }
0xa: {  	s21 =	sadd.s32 $0x1A00, s31;
	[dreg:$0x7] =	wrdreg s20  }
0xb: {  	s22 =	sadd.s32 $0x2200, s31;
	[dreg:$0x8] =	wrdreg s21  }
0xc: {  	[dreg:$0x9] =	wrdreg s22  }
0xd: {  	s23 =	sadd.s32 $0x2A00, s31;
	s24 =	rddreg [dreg:$0x4]  }
0xe: {  	s25 =	sadd.s32 $0x3200, s31;
	[dreg:$0xa] =	wrdreg s23  }
0xf: {  	s4 =	simm.s32 $0x2;
	[dreg:$0xb] =	wrdreg s25  }
0x10: {  	[tilespmem:s3], [sflag:$0x2] =	stream.linear.gather [hbm4b:s24+s3], $0x800, $0x38;
	[tilespmem:$0x4800] =	vst v63  }
0x11: {  	_ =	swait.ge [sflag:s4], $0x800  }
0x12: {  	s5 =	simm.s32 $0x80;
	[sflag:s4] =	ssyncset.done $0x0  }
0x13: {  	s6 =	simm.s32 $0x800;
	s7 =	simm.s32 $0x1;
	[sflag:s4] =	ssyncadd.s32 $0xFFFFF800  }
0x14: {  	[tilespmem:s6], [sflag:$0x1] =	stream.indirect.gather [hbm4b:s2+s5], $0x80, s3, s5, $0xb8;
	[tilespmem:$0x4800] =	vst v63  }
0x15: {  	_ =	swait.ge [sflag:s7], $0x4000  }
0x16: {  	[sflag:s7] =	ssyncset.done $0x0  }
0x17: {  	s8 =	rddreg [dreg:$0x5];
	[sflag:s7] =	ssyncadd.s32 $0xFFFFC000  }
0x18: {  	[hbm4b:s8+s3] =	stream.linear.scatter [tilespmem:s6], [sflag:$0x2], $0x4000, $0x38;
	[tilespmem:$0x4800] =	vst v63  }
0x19: {  	_ =	swait.ge [sflag:s4], $0x4000  }
0x1a: {  	[sflag:s4] =	ssyncset.done $0x0  }
0x1b: {  	[sflag:s4] =	ssyncadd.s32 $0xFFFFC000  }
0x1c: {  	[tilespmem:s6], [sflag:$0x1] =	stream.indirect.gather [hbm4b:s2+s5], $0x80, s5, s5, $0xb8;
	[tilespmem:$0x4800] =	vst v63  }
0x1d: {  	_ =	swait.ge [sflag:s7], $0x4000  }
0x1e: {  	[sflag:s7] =	ssyncset.done $0x0  }
0x1f: {  	s26 =	rddreg [dreg:$0x6];
	[sflag:s7] =	ssyncadd.s32 $0xFFFFC000  }
0x20: {  	[hbm4b:s26+s3] =	stream.linear.scatter [tilespmem:s6], [sflag:$0x2], $0x4000, $0x38;
	[tilespmem:$0x4800] =	vst v63  }
0x21: {  	_ =	swait.ge [sflag:s4], $0x4000  }
0x22: {  	[sflag:s4] =	ssyncset.done $0x0  }
0x23: {  	s8 =	simm.s32 $0x100;
	[sflag:s4] =	ssyncadd.s32 $0xFFFFC000  }
0x24: {  	[tilespmem:s6], [sflag:$0x1] =	stream.indirect.gather [hbm4b:s2+s5], $0x80, s8, s5, $0xb8;
	[tilespmem:$0x4800] =	vst v63  }
0x25: {  	_ =	swait.ge [sflag:s7], $0x4000  }
0x26: {  	[sflag:s7] =	ssyncset.done $0x0  }
0x27: {  	s9 =	rddreg [dreg:$0x7];
	[sflag:s7] =	ssyncadd.s32 $0xFFFFC000  }
0x28: {  	[hbm4b:s9+s3] =	stream.linear.scatter [tilespmem:s6], [sflag:$0x2], $0x4000, $0x38;
	[tilespmem:$0x4800] =	vst v63  }
0x29: {  	_ =	swait.ge [sflag:s4], $0x4000  }
0x2a: {  	[sflag:s4] =	ssyncset.done $0x0  }
0x2b: {  	s9 =	simm.s32 $0x180;
	[sflag:s4] =	ssyncadd.s32 $0xFFFFC000  }
0x2c: {  	[tilespmem:s6], [sflag:$0x1] =	stream.indirect.gather [hbm4b:s2+s5], $0x80, s9, s5, $0xb8;
	[tilespmem:$0x4800] =	vst v63  }
0x2d: {  	_ =	swait.ge [sflag:s7], $0x4000  }
0x2e: {  	[sflag:s7] =	ssyncset.done $0x0  }
0x2f: {  	s10 =	rddreg [dreg:$0x8];
	[sflag:s7] =	ssyncadd.s32 $0xFFFFC000  }
0x30: {  	[hbm4b:s10+s3] =	stream.linear.scatter [tilespmem:s6], [sflag:$0x2], $0x4000, $0x38;
	[tilespmem:$0x4800] =	vst v63  }
0x31: {  	_ =	swait.ge [sflag:s4], $0x4000  }
0x32: {  	[sflag:s4] =	ssyncset.done $0x0  }
0x33: {  	s10 =	simm.s32 $0x200;
	[sflag:s4] =	ssyncadd.s32 $0xFFFFC000  }
0x34: {  	[tilespmem:s6], [sflag:$0x1] =	stream.indirect.gather [hbm4b:s2+s5], $0x80, s10, s5, $0xb8;
	[tilespmem:$0x4800] =	vst v63  }
0x35: {  	_ =	swait.ge [sflag:s7], $0x4000  }
0x36: {  	[sflag:s7] =	ssyncset.done $0x0  }
0x37: {  	s11 =	rddreg [dreg:$0x9];
	[sflag:s7] =	ssyncadd.s32 $0xFFFFC000  }
0x38: {  	[hbm4b:s11+s3] =	stream.linear.scatter [tilespmem:s6], [sflag:$0x2], $0x4000, $0x38;
	[tilespmem:$0x4800] =	vst v63  }
0x39: {  	_ =	swait.ge [sflag:s4], $0x4000  }
0x3a: {  	[sflag:s4] =	ssyncset.done $0x0  }
0x3b: {  	s11 =	simm.s32 $0x280;
	[sflag:s4] =	ssyncadd.s32 $0xFFFFC000  }
0x3c: {  	[tilespmem:s6], [sflag:$0x1] =	stream.indirect.gather [hbm4b:s2+s5], $0x80, s11, s5, $0xb8;
	[tilespmem:$0x4800] =	vst v63  }
0x3d: {  	_ =	swait.ge [sflag:s7], $0x4000  }
0x3e: {  	[sflag:s7] =	ssyncset.done $0x0  }
0x3f: {  	s12 =	rddreg [dreg:$0xa];
	[sflag:s7] =	ssyncadd.s32 $0xFFFFC000  }
0x40: {  	[hbm4b:s12+s3] =	stream.linear.scatter [tilespmem:s6], [sflag:$0x2], $0x4000, $0x38;
	[tilespmem:$0x4800] =	vst v63  }
0x41: {  	_ =	swait.ge [sflag:s4], $0x4000  }
0x42: {  	[sflag:s4] =	ssyncset.done $0x0  }
0x43: {  	s12 =	simm.s32 $0x300;
	[sflag:s4] =	ssyncadd.s32 $0xFFFFC000  }
0x44: {  	[tilespmem:s6], [sflag:$0x1] =	stream.indirect.gather [hbm4b:s2+s5], $0x80, s12, s5, $0xb8;
	[tilespmem:$0x4800] =	vst v63  }
0x45: {  	_ =	swait.ge [sflag:s7], $0x4000  }
0x46: {  	[sflag:s7] =	ssyncset.done $0x0  }
0x47: {  	s13 =	rddreg [dreg:$0xb];
	[sflag:s7] =	ssyncadd.s32 $0xFFFFC000  }
0x48: {  	[hbm4b:s13+s3] =	stream.linear.scatter [tilespmem:s6], [sflag:$0x2], $0x4000, $0x38;
	[tilespmem:$0x4800] =	vst v63  }
0x49: {  	_ =	swait.ge [sflag:s4], $0x4000  }
0x4a: {  	[sflag:s4] =	ssyncset.done $0x0  }
0x4b: {  	s13 =	simm.s32 $0x380;
	[sflag:s4] =	ssyncadd.s32 $0xFFFFC000  }
0x4c: {  	[tilespmem:s6], [sflag:$0x1] =	stream.indirect.gather [hbm4b:s2+s5], $0x80, s13, s5, $0xb8;
	[tilespmem:$0x4800] =	vst v63  }
0x4d: {  	_ =	swait.ge [sflag:s7], $0x4000  }
0x4e: {  	[sflag:s7] =	ssyncset.done $0x0  }
0x4f: {  	s14 =	sadd.s32 $0x3A00, s31;
	[sflag:s7] =	ssyncadd.s32 $0xFFFFC000  }
0x50: {  	[hbm4b:s14+s3] =	stream.linear.scatter [tilespmem:s6], [sflag:$0x2], $0x4000, $0x38;
	[tilespmem:$0x4800] =	vst v63  }
0x51: {  	_ =	swait.ge [sflag:s4], $0x4000  }
0x52: {  	[sflag:s4] =	ssyncset.done $0x0  }
0x53: {  	s15 =	simm.s32 $0x400;
	[sflag:s4] =	ssyncadd.s32 $0xFFFFC000  }
0x54: {  	[tilespmem:s6], [sflag:$0x1] =	stream.indirect.gather [hbm4b:s2+s5], $0x80, s15, s5, $0xb8;
	[tilespmem:$0x4800] =	vst v63  }
0x55: {  	_ =	swait.ge [sflag:s7], $0x4000  }
0x56: {  	[sflag:s7] =	ssyncset.done $0x0  }
0x57: {  	s16 =	sadd.s32 $0x4200, s31;
	[sflag:s7] =	ssyncadd.s32 $0xFFFFC000  }
0x58: {  	[hbm4b:s16+s3] =	stream.linear.scatter [tilespmem:s6], [sflag:$0x2], $0x4000, $0x38;
	[tilespmem:$0x4800] =	vst v63  }
0x59: {  	_ =	swait.ge [sflag:s4], $0x4000  }
0x5a: {  	[sflag:s4] =	ssyncset.done $0x0  }
0x5b: {  	s17 =	simm.s32 $0x480;
	[sflag:s4] =	ssyncadd.s32 $0xFFFFC000  }
0x5c: {  	[tilespmem:s6], [sflag:$0x1] =	stream.indirect.gather [hbm4b:s2+s5], $0x80, s17, s5, $0xb8;
	[tilespmem:$0x4800] =	vst v63  }
0x5d: {  	_ =	swait.ge [sflag:s7], $0x4000  }
0x5e: {  	[sflag:s7] =	ssyncset.done $0x0  }
0x5f: {  	s18 =	sadd.s32 $0x4A00, s31;
	[sflag:s7] =	ssyncadd.s32 $0xFFFFC000  }
0x60: {  	[hbm4b:s18+s3] =	stream.linear.scatter [tilespmem:s6], [sflag:$0x2], $0x4000, $0x38;
	[tilespmem:$0x4800] =	vst v63  }
0x61: {  	_ =	swait.ge [sflag:s4], $0x4000  }
0x62: {  	[sflag:s4] =	ssyncset.done $0x0  }
0x63: {  	s19 =	simm.s32 $0x500;
	[sflag:s4] =	ssyncadd.s32 $0xFFFFC000  }
0x64: {  	[tilespmem:s6], [sflag:$0x1] =	stream.indirect.gather [hbm4b:s2+s5], $0x80, s19, s5, $0xb8;
	[tilespmem:$0x4800] =	vst v63  }
0x65: {  	_ =	swait.ge [sflag:s7], $0x4000  }
0x66: {  	[sflag:s7] =	ssyncset.done $0x0  }
0x67: {  	s20 =	sadd.s32 $0x5200, s31;
	[sflag:s7] =	ssyncadd.s32 $0xFFFFC000  }
0x68: {  	[hbm4b:s20+s3] =	stream.linear.scatter [tilespmem:s6], [sflag:$0x2], $0x4000, $0x38;
	[tilespmem:$0x4800] =	vst v63  }
0x69: {  	_ =	swait.ge [sflag:s4], $0x4000  }
0x6a: {  	[sflag:s4] =	ssyncset.done $0x0  }
0x6b: {  	s21 =	simm.s32 $0x580;
	[sflag:s4] =	ssyncadd.s32 $0xFFFFC000  }
0x6c: {  	[tilespmem:s6], [sflag:$0x1] =	stream.indirect.gather [hbm4b:s2+s5], $0x80, s21, s5, $0xb8;
	[tilespmem:$0x4800] =	vst v63  }
0x6d: {  	_ =	swait.ge [sflag:s7], $0x4000  }
0x6e: {  	[sflag:s7] =	ssyncset.done $0x0  }
0x6f: {  	s22 =	sadd.s32 $0x5A00, s31;
	[sflag:s7] =	ssyncadd.s32 $0xFFFFC000  }
0x70: {  	[hbm4b:s22+s3] =	stream.linear.scatter [tilespmem:s6], [sflag:$0x2], $0x4000, $0x38;
	[tilespmem:$0x4800] =	vst v63  }
0x71: {  	_ =	swait.ge [sflag:s4], $0x4000  }
0x72: {  	[sflag:s4] =	ssyncset.done $0x0  }
0x73: {  	s23 =	simm.s32 $0x600;
	[sflag:s4] =	ssyncadd.s32 $0xFFFFC000  }
0x74: {  	[tilespmem:s6], [sflag:$0x1] =	stream.indirect.gather [hbm4b:s2+s5], $0x80, s23, s5, $0xb8;
	[tilespmem:$0x4800] =	vst v63  }
0x75: {  	_ =	swait.ge [sflag:s7], $0x4000  }
0x76: {  	[sflag:s7] =	ssyncset.done $0x0  }
0x77: {  	s24 =	sadd.s32 $0x6200, s31;
	[sflag:s7] =	ssyncadd.s32 $0xFFFFC000  }
0x78: {  	[hbm4b:s24+s3] =	stream.linear.scatter [tilespmem:s6], [sflag:$0x2], $0x4000, $0x38;
	[tilespmem:$0x4800] =	vst v63  }
0x79: {  	_ =	swait.ge [sflag:s4], $0x4000  }
0x7a: {  	[sflag:s4] =	ssyncset.done $0x0  }
0x7b: {  	s25 =	simm.s32 $0x680;
	[sflag:s4] =	ssyncadd.s32 $0xFFFFC000  }
0x7c: {  	[tilespmem:s6], [sflag:$0x1] =	stream.indirect.gather [hbm4b:s2+s5], $0x80, s25, s5, $0xb8;
	[tilespmem:$0x4800] =	vst v63  }
0x7d: {  	_ =	swait.ge [sflag:s7], $0x4000  }
0x7e: {  	[sflag:s7] =	ssyncset.done $0x0  }
0x7f: {  	s26 =	sadd.s32 $0x6A00, s31;
	[sflag:s7] =	ssyncadd.s32 $0xFFFFC000  }
0x80: {  	[hbm4b:s26+s3] =	stream.linear.scatter [tilespmem:s6], [sflag:$0x2], $0x4000, $0x38;
	[tilespmem:$0x4800] =	vst v63  }
0x81: {  	_ =	swait.ge [sflag:s4], $0x4000  }
0x82: {  	[sflag:s4] =	ssyncset.done $0x0  }
0x83: {  	s28 =	simm.s32 $0x700;
	[sflag:s4] =	ssyncadd.s32 $0xFFFFC000  }
0x84: {  	[tilespmem:s6], [sflag:$0x1] =	stream.indirect.gather [hbm4b:s2+s5], $0x80, s28, s5, $0xb8;
	[tilespmem:$0x4800] =	vst v63  }
0x85: {  	_ =	swait.ge [sflag:s7], $0x4000  }
0x86: {  	s1 =	ssub.s32 $0x2, s1;
	[sflag:s7] =	ssyncset.done $0x0  }
0x87: {  	s0 =	sshrl.u32 s1, $0x1;
	s29 =	sadd.s32 $0x7200, s31;
	[sflag:s7] =	ssyncadd.s32 $0xFFFFC000  }
0x88: {  	[hbm4b:s29+s3] =	stream.linear.scatter [tilespmem:s6], [sflag:$0x2], $0x4000, $0x38;
	[tilespmem:$0x4800] =	vst v63  }
0x89: {  	s0 =	ssub.s32 s1, s0;
	_ =	swait.ge [sflag:s4], $0x4000  }
0x8a: {  	s0 =	smax.u32 s0, $0x1;
	[sflag:s4] =	ssyncset.done $0x0  }
0x8b: {  	s30 =	simm.s32 $0x780;
	p0 =	sne.s32 s0, $0x1;
	[sflag:s4] =	ssyncadd.s32 $0xFFFFC000  }
0x8c: {  	[tilespmem:s6], [sflag:$0x1] =	stream.indirect.gather [hbm4b:s2+s5], $0x80, s30, s5, $0xb8;
	[tilespmem:$0x4800] =	vst v63  }
.Ltmp0:
0x8d: {  	_ =	swait.ge [sflag:s7], $0x4000;
	(pc) =	sbr.rel @!p0 .LBB2_2-.Ltmp0, $4  }
0x8e: {  	[sflag:s7] =	ssyncset.done $0x0  }
0x8f: {  	s31 =	sadd.s32 $0x7A00, s31;
	[sflag:s7] =	ssyncadd.s32 $0xFFFFC000  }
0x90: {  	[hbm4b:s31+s3] =	stream.linear.scatter [tilespmem:s6], [sflag:$0x2], $0x4000, $0x38;
	[tilespmem:$0x4800] =	vst v63  }
0x91: {  	s1 =	sadd.s32 $0xFFFFFFFF, s0;
	_ =	swait.ge [sflag:s4], $0x4000  }
.LBB2_1:
0x92: {  	[sflag:s4] =	ssyncset.done $0x0  }
0x93: {  	s0 =	rddreg [dreg:$0x4];
	[sflag:s4] =	ssyncadd.s32 $0xFFFFC000  }
0x94: {  	[tilespmem:s3], [sflag:$0x2] =	stream.linear.gather [hbm4b:s0+s3], $0x800, $0x38;
	[tilespmem:$0x4800] =	vst v63  }
0x95: {  	_ =	swait.ge [sflag:s4], $0x800  }
0x96: {  	[sflag:s4] =	ssyncset.done $0x0  }
0x97: {  	[sflag:s4] =	ssyncadd.s32 $0xFFFFF800  }
0x98: {  	[tilespmem:s6], [sflag:$0x1] =	stream.indirect.gather [hbm4b:s2+s5], $0x80, s3, s5, $0xb8;
	[tilespmem:$0x4800] =	vst v63  }
0x99: {  	_ =	swait.ge [sflag:s7], $0x4000  }
0x9a: {  	[sflag:s7] =	ssyncset.done $0x0  }
0x9b: {  	s0 =	rddreg [dreg:$0x5];
	[sflag:s7] =	ssyncadd.s32 $0xFFFFC000  }
0x9c: {  	[hbm4b:s0+s3] =	stream.linear.scatter [tilespmem:s6], [sflag:$0x2], $0x4000, $0x38;
	[tilespmem:$0x4800] =	vst v63  }
0x9d: {  	_ =	swait.ge [sflag:s4], $0x4000  }
0x9e: {  	[sflag:s4] =	ssyncset.done $0x0  }
0x9f: {  	[sflag:s4] =	ssyncadd.s32 $0xFFFFC000  }
0xa0: {  	[tilespmem:s6], [sflag:$0x1] =	stream.indirect.gather [hbm4b:s2+s5], $0x80, s5, s5, $0xb8;
	[tilespmem:$0x4800] =	vst v63  }
0xa1: {  	_ =	swait.ge [sflag:s7], $0x4000  }
0xa2: {  	[sflag:s7] =	ssyncset.done $0x0  }
0xa3: {  	s0 =	rddreg [dreg:$0x6];
	[sflag:s7] =	ssyncadd.s32 $0xFFFFC000  }
0xa4: {  	[hbm4b:s0+s3] =	stream.linear.scatter [tilespmem:s6], [sflag:$0x2], $0x4000, $0x38;
	[tilespmem:$0x4800] =	vst v63  }
0xa5: {  	_ =	swait.ge [sflag:s4], $0x4000  }
0xa6: {  	[sflag:s4] =	ssyncset.done $0x0  }
0xa7: {  	[sflag:s4] =	ssyncadd.s32 $0xFFFFC000  }
0xa8: {  	[tilespmem:s6], [sflag:$0x1] =	stream.indirect.gather [hbm4b:s2+s5], $0x80, s8, s5, $0xb8;
	[tilespmem:$0x4800] =	vst v63  }
0xa9: {  	_ =	swait.ge [sflag:s7], $0x4000  }
0xaa: {  	[sflag:s7] =	ssyncset.done $0x0  }
0xab: {  	s0 =	rddreg [dreg:$0x7];
	[sflag:s7] =	ssyncadd.s32 $0xFFFFC000  }
0xac: {  	[hbm4b:s0+s3] =	stream.linear.scatter [tilespmem:s6], [sflag:$0x2], $0x4000, $0x38;
	[tilespmem:$0x4800] =	vst v63  }
0xad: {  	_ =	swait.ge [sflag:s4], $0x4000  }
0xae: {  	[sflag:s4] =	ssyncset.done $0x0  }
0xaf: {  	[sflag:s4] =	ssyncadd.s32 $0xFFFFC000  }
0xb0: {  	[tilespmem:s6], [sflag:$0x1] =	stream.indirect.gather [hbm4b:s2+s5], $0x80, s9, s5, $0xb8;
	[tilespmem:$0x4800] =	vst v63  }
0xb1: {  	_ =	swait.ge [sflag:s7], $0x4000  }
0xb2: {  	[sflag:s7] =	ssyncset.done $0x0  }
0xb3: {  	s0 =	rddreg [dreg:$0x8];
	[sflag:s7] =	ssyncadd.s32 $0xFFFFC000  }
0xb4: {  	[hbm4b:s0+s3] =	stream.linear.scatter [tilespmem:s6], [sflag:$0x2], $0x4000, $0x38;
	[tilespmem:$0x4800] =	vst v63  }
0xb5: {  	_ =	swait.ge [sflag:s4], $0x4000  }
0xb6: {  	[sflag:s4] =	ssyncset.done $0x0  }
0xb7: {  	[sflag:s4] =	ssyncadd.s32 $0xFFFFC000  }
0xb8: {  	[tilespmem:s6], [sflag:$0x1] =	stream.indirect.gather [hbm4b:s2+s5], $0x80, s10, s5, $0xb8;
	[tilespmem:$0x4800] =	vst v63  }
0xb9: {  	_ =	swait.ge [sflag:s7], $0x4000  }
0xba: {  	[sflag:s7] =	ssyncset.done $0x0  }
0xbb: {  	s0 =	rddreg [dreg:$0x9];
	[sflag:s7] =	ssyncadd.s32 $0xFFFFC000  }
0xbc: {  	[hbm4b:s0+s3] =	stream.linear.scatter [tilespmem:s6], [sflag:$0x2], $0x4000, $0x38;
	[tilespmem:$0x4800] =	vst v63  }
0xbd: {  	_ =	swait.ge [sflag:s4], $0x4000  }
0xbe: {  	[sflag:s4] =	ssyncset.done $0x0  }
0xbf: {  	[sflag:s4] =	ssyncadd.s32 $0xFFFFC000  }
0xc0: {  	[tilespmem:s6], [sflag:$0x1] =	stream.indirect.gather [hbm4b:s2+s5], $0x80, s11, s5, $0xb8;
	[tilespmem:$0x4800] =	vst v63  }
0xc1: {  	_ =	swait.ge [sflag:s7], $0x4000  }
0xc2: {  	[sflag:s7] =	ssyncset.done $0x0  }
0xc3: {  	s0 =	rddreg [dreg:$0xa];
	[sflag:s7] =	ssyncadd.s32 $0xFFFFC000  }
0xc4: {  	[hbm4b:s0+s3] =	stream.linear.scatter [tilespmem:s6], [sflag:$0x2], $0x4000, $0x38;
	[tilespmem:$0x4800] =	vst v63  }
0xc5: {  	_ =	swait.ge [sflag:s4], $0x4000  }
0xc6: {  	[sflag:s4] =	ssyncset.done $0x0  }
0xc7: {  	[sflag:s4] =	ssyncadd.s32 $0xFFFFC000  }
0xc8: {  	[tilespmem:s6], [sflag:$0x1] =	stream.indirect.gather [hbm4b:s2+s5], $0x80, s12, s5, $0xb8;
	[tilespmem:$0x4800] =	vst v63  }
0xc9: {  	_ =	swait.ge [sflag:s7], $0x4000  }
0xca: {  	[sflag:s7] =	ssyncset.done $0x0  }
0xcb: {  	s0 =	rddreg [dreg:$0xb];
	[sflag:s7] =	ssyncadd.s32 $0xFFFFC000  }
0xcc: {  	[hbm4b:s0+s3] =	stream.linear.scatter [tilespmem:s6], [sflag:$0x2], $0x4000, $0x38;
	[tilespmem:$0x4800] =	vst v63  }
0xcd: {  	_ =	swait.ge [sflag:s4], $0x4000  }
0xce: {  	[sflag:s4] =	ssyncset.done $0x0  }
0xcf: {  	[sflag:s4] =	ssyncadd.s32 $0xFFFFC000  }
0xd0: {  	[tilespmem:s6], [sflag:$0x1] =	stream.indirect.gather [hbm4b:s2+s5], $0x80, s13, s5, $0xb8;
	[tilespmem:$0x4800] =	vst v63  }
0xd1: {  	_ =	swait.ge [sflag:s7], $0x4000  }
0xd2: {  	[sflag:s7] =	ssyncset.done $0x0  }
0xd3: {  	[sflag:s7] =	ssyncadd.s32 $0xFFFFC000  }
0xd4: {  	[hbm4b:s14+s3] =	stream.linear.scatter [tilespmem:s6], [sflag:$0x2], $0x4000, $0x38;
	[tilespmem:$0x4800] =	vst v63  }
0xd5: {  	_ =	swait.ge [sflag:s4], $0x4000  }
0xd6: {  	[sflag:s4] =	ssyncset.done $0x0  }
0xd7: {  	[sflag:s4] =	ssyncadd.s32 $0xFFFFC000  }
0xd8: {  	[tilespmem:s6], [sflag:$0x1] =	stream.indirect.gather [hbm4b:s2+s5], $0x80, s15, s5, $0xb8;
	[tilespmem:$0x4800] =	vst v63  }
0xd9: {  	_ =	swait.ge [sflag:s7], $0x4000  }
0xda: {  	[sflag:s7] =	ssyncset.done $0x0  }
0xdb: {  	[sflag:s7] =	ssyncadd.s32 $0xFFFFC000  }
0xdc: {  	[hbm4b:s16+s3] =	stream.linear.scatter [tilespmem:s6], [sflag:$0x2], $0x4000, $0x38;
	[tilespmem:$0x4800] =	vst v63  }
0xdd: {  	_ =	swait.ge [sflag:s4], $0x4000  }
0xde: {  	[sflag:s4] =	ssyncset.done $0x0  }
0xdf: {  	[sflag:s4] =	ssyncadd.s32 $0xFFFFC000  }
0xe0: {  	[tilespmem:s6], [sflag:$0x1] =	stream.indirect.gather [hbm4b:s2+s5], $0x80, s17, s5, $0xb8;
	[tilespmem:$0x4800] =	vst v63  }
0xe1: {  	_ =	swait.ge [sflag:s7], $0x4000  }
0xe2: {  	[sflag:s7] =	ssyncset.done $0x0  }
0xe3: {  	[sflag:s7] =	ssyncadd.s32 $0xFFFFC000  }
0xe4: {  	[hbm4b:s18+s3] =	stream.linear.scatter [tilespmem:s6], [sflag:$0x2], $0x4000, $0x38;
	[tilespmem:$0x4800] =	vst v63  }
0xe5: {  	_ =	swait.ge [sflag:s4], $0x4000  }
0xe6: {  	[sflag:s4] =	ssyncset.done $0x0  }
0xe7: {  	[sflag:s4] =	ssyncadd.s32 $0xFFFFC000  }
0xe8: {  	[tilespmem:s6], [sflag:$0x1] =	stream.indirect.gather [hbm4b:s2+s5], $0x80, s19, s5, $0xb8;
	[tilespmem:$0x4800] =	vst v63  }
0xe9: {  	_ =	swait.ge [sflag:s7], $0x4000  }
0xea: {  	[sflag:s7] =	ssyncset.done $0x0  }
0xeb: {  	[sflag:s7] =	ssyncadd.s32 $0xFFFFC000  }
0xec: {  	[hbm4b:s20+s3] =	stream.linear.scatter [tilespmem:s6], [sflag:$0x2], $0x4000, $0x38;
	[tilespmem:$0x4800] =	vst v63  }
0xed: {  	_ =	swait.ge [sflag:s4], $0x4000  }
0xee: {  	[sflag:s4] =	ssyncset.done $0x0  }
0xef: {  	[sflag:s4] =	ssyncadd.s32 $0xFFFFC000  }
0xf0: {  	[tilespmem:s6], [sflag:$0x1] =	stream.indirect.gather [hbm4b:s2+s5], $0x80, s21, s5, $0xb8;
	[tilespmem:$0x4800] =	vst v63  }
0xf1: {  	_ =	swait.ge [sflag:s7], $0x4000  }
0xf2: {  	[sflag:s7] =	ssyncset.done $0x0  }
0xf3: {  	[sflag:s7] =	ssyncadd.s32 $0xFFFFC000  }
0xf4: {  	[hbm4b:s22+s3] =	stream.linear.scatter [tilespmem:s6], [sflag:$0x2], $0x4000, $0x38;
	[tilespmem:$0x4800] =	vst v63  }
0xf5: {  	_ =	swait.ge [sflag:s4], $0x4000  }
0xf6: {  	[sflag:s4] =	ssyncset.done $0x0  }
0xf7: {  	[sflag:s4] =	ssyncadd.s32 $0xFFFFC000  }
0xf8: {  	[tilespmem:s6], [sflag:$0x1] =	stream.indirect.gather [hbm4b:s2+s5], $0x80, s23, s5, $0xb8;
	[tilespmem:$0x4800] =	vst v63  }
0xf9: {  	_ =	swait.ge [sflag:s7], $0x4000  }
0xfa: {  	[sflag:s7] =	ssyncset.done $0x0  }
0xfb: {  	[sflag:s7] =	ssyncadd.s32 $0xFFFFC000  }
0xfc: {  	[hbm4b:s24+s3] =	stream.linear.scatter [tilespmem:s6], [sflag:$0x2], $0x4000, $0x38;
	[tilespmem:$0x4800] =	vst v63  }
0xfd: {  	_ =	swait.ge [sflag:s4], $0x4000  }
0xfe: {  	[sflag:s4] =	ssyncset.done $0x0  }
0xff: {  	[sflag:s4] =	ssyncadd.s32 $0xFFFFC000  }
0x100: {  	[tilespmem:s6], [sflag:$0x1] =	stream.indirect.gather [hbm4b:s2+s5], $0x80, s25, s5, $0xb8;
	[tilespmem:$0x4800] =	vst v63  }
0x101: {  	_ =	swait.ge [sflag:s7], $0x4000  }
0x102: {  	[sflag:s7] =	ssyncset.done $0x0  }
0x103: {  	[sflag:s7] =	ssyncadd.s32 $0xFFFFC000  }
0x104: {  	[hbm4b:s26+s3] =	stream.linear.scatter [tilespmem:s6], [sflag:$0x2], $0x4000, $0x38;
	[tilespmem:$0x4800] =	vst v63  }
0x105: {  	_ =	swait.ge [sflag:s4], $0x4000  }
0x106: {  	[sflag:s4] =	ssyncset.done $0x0  }
0x107: {  	[sflag:s4] =	ssyncadd.s32 $0xFFFFC000  }
0x108: {  	[tilespmem:s6], [sflag:$0x1] =	stream.indirect.gather [hbm4b:s2+s5], $0x80, s28, s5, $0xb8;
	[tilespmem:$0x4800] =	vst v63  }
0x109: {  	_ =	swait.ge [sflag:s7], $0x4000  }
0x10a: {  	[sflag:s7] =	ssyncset.done $0x0  }
0x10b: {  	[sflag:s7] =	ssyncadd.s32 $0xFFFFC000  }
0x10c: {  	[hbm4b:s29+s3] =	stream.linear.scatter [tilespmem:s6], [sflag:$0x2], $0x4000, $0x38;
	[tilespmem:$0x4800] =	vst v63  }
0x10d: {  	_ =	swait.ge [sflag:s4], $0x4000  }
0x10e: {  	[sflag:s4] =	ssyncset.done $0x0  }
0x10f: {  	p0 =	sne.s32 s1, $0x1;
	[sflag:s4] =	ssyncadd.s32 $0xFFFFC000  }
0x110: {  	[tilespmem:s6], [sflag:$0x1] =	stream.indirect.gather [hbm4b:s2+s5], $0x80, s30, s5, $0xb8;
	[tilespmem:$0x4800] =	vst v63  }
.Ltmp1:
0x111: {  	_ =	swait.ge [sflag:s7], $0x4000;
	(pc) =	sbr.rel @p0 .LBB2_1-.Ltmp1, $4  }
0x112: {  	[sflag:s7] =	ssyncset.done $0x0  }
0x113: {  	[sflag:s7] =	ssyncadd.s32 $0xFFFFC000  }
0x114: {  	[hbm4b:s31+s3] =	stream.linear.scatter [tilespmem:s6], [sflag:$0x2], $0x4000, $0x38;
	[tilespmem:$0x4800] =	vst v63  }
0x115: {  	s1 =	sadd.s32 $0xFFFFFFFF, s1;
	_ =	swait.ge [sflag:s4], $0x4000  }
.LBB2_2:
0x116: {  	[sflag:s4] =	ssyncset.done $0x0  }
0x117: {  	[sflag:s4] =	ssyncadd.s32 $0xFFFFC000  }
0x118: {  	_ =	sfence.sel $0x180000  }
0x119: {  	[bflag:$0x0] =	sbarrier.arrive $0xFFFF  }
0x11a: {  	_ =	strace $0x90000047  }
0x11b: {  	s0 =	stileid.u32;
	[bflag:$0x2] =	sbarrier.arrive $0xFFFF  }
0x11c: {  	p0 =	sne.s32 s0, $0x0;
	s0 =	rddreg [dreg:$0x3]  }
0x11d: {  	s0 =	sadd.s32 @!p0 $0x100000, s0  }
0x11e: {  	[sflag:s0] =	ssyncadd.tile.s32 @!p0 $0x1;
	_ =	shalt  }
.Lfunc_end2:
_tile_overlayer_lowered:
.L_overlay_start_2:
0x11f: {  	(tag) =	ssettag $0x2  }
0x120: {  	s0 =	rddreg [dreg:$0x0];
	s2 =	stileid.u32  }
0x121: {  	s1 =	rddreg [dreg:$0x1];
	p0 =	sne.s32 s2, $0x0  }
0x122: {  	s3 =	rddreg [dreg:$0x2];
	[bflag:$0x3] =	sbarrier.arrive $0xFFFF;
	s2 =	simm.s32 @!p0 $0x1C02  }
0x123: {  	[timem:s3], [sflag:s2] =	dma.local @!p0 [hbm:s0], s1  }
0x124: {  	s0 =	simm.s32 @!p0 $0x2  }
0x125: {  	_ =	swait.ge @!p0 [sflag:s0], s1  }
0x126: {  	s1 =	ssub.s32 @!p0 $0x0, s1;
	[sflag:s0] =	ssyncset.done @!p0 $0x0  }
0x127: {  	[sflag:s0] =	ssyncadd.s32 @!p0 s1  }
0x128: {  	[bflag:$0x3] =	sbarrier.arrive $0xFFFF  }
0x129: {  	_ =	shalt  }

</sc_bundles>
